<compile_context>
chip_gen: v7x
topology: tpu7x:2x2x1
jax: 0.10.2.dev20260603
libtpu: 0.0.44.dev20260713+nightly
codegen_flags: <defaults>
</compile_context>

<pallas_src>
import jax
import jax.numpy as jnp
from jax import lax
from jax.experimental import pallas as pl
from jax.experimental.pallas import tpu as pltpu
from jax.experimental.pallas import tpu_sc as plsc

_B = 16384
_D = 1024
_NC = 2
_NS = 16
_NW = _NC * _NS
_BPW = _B // _NW
_C = 32
_NCHUNK = _BPW // _C


def _emb_body(ids_hbm, table_hbm, out_hbm, idx_v, rows0, rows1, gsem0, gsem1, osem0, osem1):
    wid = lax.axis_index("s") * _NC + lax.axis_index("c")
    base = wid * _BPW
    pltpu.sync_copy(ids_hbm.at[pl.ds(base, _BPW)], idx_v)
    bufs = (rows0, rows1)
    gsems = (gsem0, gsem1)
    osems = (osem0, osem1)

    def gstart(i, b):
        return pltpu.async_copy(
            table_hbm.at[idx_v.at[pl.ds(i * _C, _C)]], bufs[b], gsems[b]
        )

    gh = [gstart(0, 0), gstart(1, 1)]
    for i in range(_NCHUNK):
        b = i & 1
        gh[b].wait()
        oh = pltpu.async_copy(bufs[b], out_hbm.at[pl.ds(base + i * _C, _C)], osems[b])
        if i + 2 < _NCHUNK:
            oh.wait()
            gh[b] = gstart(i + 2, b)
        else:
            oh.wait()


@jax.jit
def kernel(input_ids, embedding):
    ids = input_ids.reshape(-1).astype(jnp.int32)
    mesh = plsc.VectorSubcoreMesh(core_axis_name="c", subcore_axis_name="s")
    out = pl.kernel(
        _emb_body,
        out_type=jax.ShapeDtypeStruct((_B, _D), jnp.float32),
        mesh=mesh,
        scratch_types=[
            pltpu.VMEM((_BPW,), jnp.int32),
            pltpu.VMEM((_C, _D), jnp.float32),
            pltpu.VMEM((_C, _D), jnp.float32),
            pltpu.SemaphoreType.DMA,
            pltpu.SemaphoreType.DMA,
            pltpu.SemaphoreType.DMA,
            pltpu.SemaphoreType.DMA,
        ],
    )(ids, embedding)
    return out.reshape(input_ids.shape + (_D,))

# --- scband reference (transcript-rebuilt; emitter-appended) ---
"""Pipeline reference for scband-token-embedding-3006477107225 (READ-ONLY COPY).

The authoritative reference and input builder live on the scoring server;
editing this copy changes nothing except your own understanding.
"""

import jax, jax.numpy as jnp
import numpy as np

VOCAB_SIZE = 100000
HIDDEN_SIZE = 1024

def setup_inputs(seed: int = 0) -> dict:
    key = jax.random.key(seed)
    k_ids, k_emb = jax.random.split(key)
    input_ids = jax.random.randint(k_ids, (4, 4096), 0, VOCAB_SIZE, dtype=jnp.int64 if jax.config.jax_enable_x64 else jnp.int32)
    embedding = jax.random.normal(k_emb, (VOCAB_SIZE, HIDDEN_SIZE), dtype=jnp.float32) * 0.02
    return {"input_ids": input_ids, "embedding": embedding}

def reference(input_ids, embedding):
    # nn.Embedding lookup: table[idx]
    return jnp.take(embedding, input_ids, axis=0)

if __name__ == "__main__":
    import jax
    _d = setup_inputs()
    print(jax.jit(kernel)(*tuple(_d.values())))

</pallas_src>

<mosaic_0001>
#map = affine_map<(d0, d1) -> (0)>
#map1 = affine_map<(d0, d1) -> (0, 0)>
module attributes {stable_mosaic.version = 14 : i64} {
  func.func @_emb_body(%arg0: i32, %arg1: i32, %arg2: memref<16384xi32, #tpu.memory_space<hbm>>, %arg3: memref<100000x1024xf32, #tpu.memory_space<hbm>>, %arg4: memref<16384x1024xf32, #tpu.memory_space<hbm>>, %arg5: memref<512xi32, #tpu.memory_space<vmem>>, %arg6: memref<32x1024xf32, #tpu.memory_space<vmem>>, %arg7: memref<32x1024xf32, #tpu.memory_space<vmem>>, %arg8: memref<!tpu.dma_semaphore, #tpu.memory_space<semaphore_mem>>, %arg9: memref<!tpu.dma_semaphore, #tpu.memory_space<semaphore_mem>>, %arg10: memref<!tpu.dma_semaphore, #tpu.memory_space<semaphore_mem>>, %arg11: memref<!tpu.dma_semaphore, #tpu.memory_space<semaphore_mem>>) attributes {dimension_semantics = [#tpu.dimension_semantics<core_parallel>, #tpu.dimension_semantics<subcore_parallel>], iteration_bounds = array<i64: 2, 16>, scalar_prefetch = 0 : i64, scratch_operands = 7 : i64, tpu.core_type = #tpu.core_type<sc_vector_subcore>, window_params = [{transform_indices = #map}, {transform_indices = #map1}, {transform_indices = #map1}]} {
    %mul3A = arith.constant 2 : i32
    %mul3A_0 = arith.muli %arg1, %mul3A : i32
    %add3A = arith.addi %mul3A_0, %arg0 : i32
    %mul3A_1 = arith.constant 512 : i32
    %mul3A_2 = arith.muli %add3A, %mul3A_1 : i32
    "tpu.region"() ({
      %run_scoped3A = tpu.sem_alloc : memref<!tpu.dma_semaphore, #tpu.memory_space<semaphore_mem>>
      %dma_start3A_321 = tpu.memref_slice %arg2[%mul3A_2] : memref<16384xi32, #tpu.memory_space<hbm>> -> memref<512xi32, #tpu.memory_space<hbm>>
      %dma_start3A_322 = tpu.memref_slice %arg2[%mul3A_2] : memref<16384xi32, #tpu.memory_space<hbm>> -> memref<512xi32, #tpu.memory_space<hbm>>
      tpu.enqueue_dma source(%dma_start3A_322 : memref<512xi32, #tpu.memory_space<hbm>>) target(%arg5 : memref<512xi32, #tpu.memory_space<vmem>>) target_semaphore(%run_scoped3A : memref<!tpu.dma_semaphore, #tpu.memory_space<semaphore_mem>>)
      %dma_wait3A_323 = tpu.memref_slice %arg2[%mul3A_2] : memref<16384xi32, #tpu.memory_space<hbm>> -> memref<512xi32, #tpu.memory_space<hbm>>
      %dma_wait3A_324 = tpu.memref_slice %arg2[%mul3A_2] : memref<16384xi32, #tpu.memory_space<hbm>> -> memref<512xi32, #tpu.memory_space<hbm>>
      tpu.wait_dma2 semaphore(%run_scoped3A : memref<!tpu.dma_semaphore, #tpu.memory_space<semaphore_mem>>) src(%dma_wait3A_324 : memref<512xi32, #tpu.memory_space<hbm>>) dst(%arg5 : memref<512xi32, #tpu.memory_space<vmem>>)
      tpu.yield
    }) : () -> ()
    %dma_start3A = arith.constant 0 : i32
    %dma_start3A_3 = tpu.memref_slice %arg5[%dma_start3A] : memref<512xi32, #tpu.memory_space<vmem>> -> memref<32xi32, #tpu.memory_space<vmem>>
    %dma_start3A_4 = arith.constant 0 : i32
    %dma_start3A_5 = arith.constant 0 : i32
    %dma_start3A_6 = tpu.memref_slice %arg3[%dma_start3A_4, %dma_start3A_5] : memref<100000x1024xf32, #tpu.memory_space<hbm>> -> memref<100000x1024xf32, #tpu.memory_space<hbm>>
    tpu.enqueue_indirect_dma source(%dma_start3A_6 : memref<100000x1024xf32, #tpu.memory_space<hbm>>) target(%arg6 : memref<32x1024xf32, #tpu.memory_space<vmem>>) offsets(%dma_start3A_3 : memref<32xi32, #tpu.memory_space<vmem>>) semaphore(%arg8 : memref<!tpu.dma_semaphore, #tpu.memory_space<semaphore_mem>>)
    %dma_start3A_7 = arith.constant 32 : i32
    %dma_start3A_8 = tpu.memref_slice %arg5[%dma_start3A_7] : memref<512xi32, #tpu.memory_space<vmem>> -> memref<32xi32, #tpu.memory_space<vmem>>
    %dma_start3A_9 = arith.constant 0 : i32
    %dma_start3A_10 = arith.constant 0 : i32
    %dma_start3A_11 = tpu.memref_slice %arg3[%dma_start3A_9, %dma_start3A_10] : memref<100000x1024xf32, #tpu.memory_space<hbm>> -> memref<100000x1024xf32, #tpu.memory_space<hbm>>
    tpu.enqueue_indirect_dma source(%dma_start3A_11 : memref<100000x1024xf32, #tpu.memory_space<hbm>>) target(%arg7 : memref<32x1024xf32, #tpu.memory_space<vmem>>) offsets(%dma_start3A_8 : memref<32xi32, #tpu.memory_space<vmem>>) semaphore(%arg9 : memref<!tpu.dma_semaphore, #tpu.memory_space<semaphore_mem>>)
    %dma_wait3A = arith.constant 0 : i32
    %dma_wait3A_12 = tpu.memref_slice %arg5[%dma_wait3A] : memref<512xi32, #tpu.memory_space<vmem>> -> memref<32xi32, #tpu.memory_space<vmem>>
    %dma_wait3A_13 = arith.constant 0 : i32
    %dma_wait3A_14 = arith.constant 0 : i32
    %dma_wait3A_15 = tpu.memref_slice %arg3[%dma_wait3A_13, %dma_wait3A_14] : memref<100000x1024xf32, #tpu.memory_space<hbm>> -> memref<100000x1024xf32, #tpu.memory_space<hbm>>
    tpu.wait_indirect_dma semaphore(%arg8 : memref<!tpu.dma_semaphore, #tpu.memory_space<semaphore_mem>>) src(%dma_wait3A_15 : memref<100000x1024xf32, #tpu.memory_space<hbm>>) dst(%arg6 : memref<32x1024xf32, #tpu.memory_space<vmem>>)
    %add3A_16 = arith.constant 0 : i32
    %add3A_17 = arith.addi %mul3A_2, %add3A_16 : i32
    %dma_start3A_18 = arith.constant 0 : i32
    %dma_start3A_19 = tpu.memref_slice %arg4[%add3A_17, %dma_start3A_18] : memref<16384x1024xf32, #tpu.memory_space<hbm>> -> memref<32x1024xf32, #tpu.memory_space<hbm>>
    %dma_start3A_20 = arith.constant 0 : i32
    %dma_start3A_21 = tpu.memref_slice %arg4[%add3A_17, %dma_start3A_20] : memref<16384x1024xf32, #tpu.memory_space<hbm>> -> memref<32x1024xf32, #tpu.memory_space<hbm>>
    tpu.enqueue_dma source(%arg6 : memref<32x1024xf32, #tpu.memory_space<vmem>>) target(%dma_start3A_21 : memref<32x1024xf32, #tpu.memory_space<hbm>>) target_semaphore(%arg10 : memref<!tpu.dma_semaphore, #tpu.memory_space<semaphore_mem>>)
    %dma_wait3A_22 = arith.constant 0 : i32
    %dma_wait3A_23 = tpu.memref_slice %arg4[%add3A_17, %dma_wait3A_22] : memref<16384x1024xf32, #tpu.memory_space<hbm>> -> memref<32x1024xf32, #tpu.memory_space<hbm>>
    %dma_wait3A_24 = arith.constant 0 : i32
    %dma_wait3A_25 = tpu.memref_slice %arg4[%add3A_17, %dma_wait3A_24] : memref<16384x1024xf32, #tpu.memory_space<hbm>> -> memref<32x1024xf32, #tpu.memory_space<hbm>>
    tpu.wait_dma2 semaphore(%arg10 : memref<!tpu.dma_semaphore, #tpu.memory_space<semaphore_mem>>) src(%arg6 : memref<32x1024xf32, #tpu.memory_space<vmem>>) dst(%dma_wait3A_25 : memref<32x1024xf32, #tpu.memory_space<hbm>>)
    %dma_start3A_26 = arith.constant 64 : i32
    %dma_start3A_27 = tpu.memref_slice %arg5[%dma_start3A_26] : memref<512xi32, #tpu.memory_space<vmem>> -> memref<32xi32, #tpu.memory_space<vmem>>
    %dma_start3A_28 = arith.constant 0 : i32
    %dma_start3A_29 = arith.constant 0 : i32
    %dma_start3A_30 = tpu.memref_slice %arg3[%dma_start3A_28, %dma_start3A_29] : memref<100000x1024xf32, #tpu.memory_space<hbm>> -> memref<100000x1024xf32, #tpu.memory_space<hbm>>
    tpu.enqueue_indirect_dma source(%dma_start3A_30 : memref<100000x1024xf32, #tpu.memory_space<hbm>>) target(%arg6 : memref<32x1024xf32, #tpu.memory_space<vmem>>) offsets(%dma_start3A_27 : memref<32xi32, #tpu.memory_space<vmem>>) semaphore(%arg8 : memref<!tpu.dma_semaphore, #tpu.memory_space<semaphore_mem>>)
    %dma_wait3A_31 = arith.constant 32 : i32
    %dma_wait3A_32 = tpu.memref_slice %arg5[%dma_wait3A_31] : memref<512xi32, #tpu.memory_space<vmem>> -> memref<32xi32, #tpu.memory_space<vmem>>
    %dma_wait3A_33 = arith.constant 0 : i32
    %dma_wait3A_34 = arith.constant 0 : i32
    %dma_wait3A_35 = tpu.memref_slice %arg3[%dma_wait3A_33, %dma_wait3A_34] : memref<100000x1024xf32, #tpu.memory_space<hbm>> -> memref<100000x1024xf32, #tpu.memory_space<hbm>>
    tpu.wait_indirect_dma semaphore(%arg9 : memref<!tpu.dma_semaphore, #tpu.memory_space<semaphore_mem>>) src(%dma_wait3A_35 : memref<100000x1024xf32, #tpu.memory_space<hbm>>) dst(%arg7 : memref<32x1024xf32, #tpu.memory_space<vmem>>)
    %add3A_36 = arith.constant 32 : i32
    %add3A_37 = arith.addi %mul3A_2, %add3A_36 : i32
    %dma_start3A_38 = arith.constant 0 : i32
    %dma_start3A_39 = tpu.memref_slice %arg4[%add3A_37, %dma_start3A_38] : memref<16384x1024xf32, #tpu.memory_space<hbm>> -> memref<32x1024xf32, #tpu.memory_space<hbm>>
    %dma_start3A_40 = arith.constant 0 : i32
    %dma_start3A_41 = tpu.memref_slice %arg4[%add3A_37, %dma_start3A_40] : memref<16384x1024xf32, #tpu.memory_space<hbm>> -> memref<32x1024xf32, #tpu.memory_space<hbm>>
    tpu.enqueue_dma source(%arg7 : memref<32x1024xf32, #tpu.memory_space<vmem>>) target(%dma_start3A_41 : memref<32x1024xf32, #tpu.memory_space<hbm>>) target_semaphore(%arg11 : memref<!tpu.dma_semaphore, #tpu.memory_space<semaphore_mem>>)
    %dma_wait3A_42 = arith.constant 0 : i32
    %dma_wait3A_43 = tpu.memref_slice %arg4[%add3A_37, %dma_wait3A_42] : memref<16384x1024xf32, #tpu.memory_space<hbm>> -> memref<32x1024xf32, #tpu.memory_space<hbm>>
    %dma_wait3A_44 = arith.constant 0 : i32
    %dma_wait3A_45 = tpu.memref_slice %arg4[%add3A_37, %dma_wait3A_44] : memref<16384x1024xf32, #tpu.memory_space<hbm>> -> memref<32x1024xf32, #tpu.memory_space<hbm>>
    tpu.wait_dma2 semaphore(%arg11 : memref<!tpu.dma_semaphore, #tpu.memory_space<semaphore_mem>>) src(%arg7 : memref<32x1024xf32, #tpu.memory_space<vmem>>) dst(%dma_wait3A_45 : memref<32x1024xf32, #tpu.memory_space<hbm>>)
    %dma_start3A_46 = arith.constant 96 : i32
    %dma_start3A_47 = tpu.memref_slice %arg5[%dma_start3A_46] : memref<512xi32, #tpu.memory_space<vmem>> -> memref<32xi32, #tpu.memory_space<vmem>>
    %dma_start3A_48 = arith.constant 0 : i32
    %dma_start3A_49 = arith.constant 0 : i32
    %dma_start3A_50 = tpu.memref_slice %arg3[%dma_start3A_48, %dma_start3A_49] : memref<100000x1024xf32, #tpu.memory_space<hbm>> -> memref<100000x1024xf32, #tpu.memory_space<hbm>>
    tpu.enqueue_indirect_dma source(%dma_start3A_50 : memref<100000x1024xf32, #tpu.memory_space<hbm>>) target(%arg7 : memref<32x1024xf32, #tpu.memory_space<vmem>>) offsets(%dma_start3A_47 : memref<32xi32, #tpu.memory_space<vmem>>) semaphore(%arg9 : memref<!tpu.dma_semaphore, #tpu.memory_space<semaphore_mem>>)
    %dma_wait3A_51 = arith.constant 64 : i32
    %dma_wait3A_52 = tpu.memref_slice %arg5[%dma_wait3A_51] : memref<512xi32, #tpu.memory_space<vmem>> -> memref<32xi32, #tpu.memory_space<vmem>>
    %dma_wait3A_53 = arith.constant 0 : i32
    %dma_wait3A_54 = arith.constant 0 : i32
    %dma_wait3A_55 = tpu.memref_slice %arg3[%dma_wait3A_53, %dma_wait3A_54] : memref<100000x1024xf32, #tpu.memory_space<hbm>> -> memref<100000x1024xf32, #tpu.memory_space<hbm>>
    tpu.wait_indirect_dma semaphore(%arg8 : memref<!tpu.dma_semaphore, #tpu.memory_space<semaphore_mem>>) src(%dma_wait3A_55 : memref<100000x1024xf32, #tpu.memory_space<hbm>>) dst(%arg6 : memref<32x1024xf32, #tpu.memory_space<vmem>>)
    %add3A_56 = arith.constant 64 : i32
    %add3A_57 = arith.addi %mul3A_2, %add3A_56 : i32
    %dma_start3A_58 = arith.constant 0 : i32
    %dma_start3A_59 = tpu.memref_slice %arg4[%add3A_57, %dma_start3A_58] : memref<16384x1024xf32, #tpu.memory_space<hbm>> -> memref<32x1024xf32, #tpu.memory_space<hbm>>
    %dma_start3A_60 = arith.constant 0 : i32
    %dma_start3A_61 = tpu.memref_slice %arg4[%add3A_57, %dma_start3A_60] : memref<16384x1024xf32, #tpu.memory_space<hbm>> -> memref<32x1024xf32, #tpu.memory_space<hbm>>
    tpu.enqueue_dma source(%arg6 : memref<32x1024xf32, #tpu.memory_space<vmem>>) target(%dma_start3A_61 : memref<32x1024xf32, #tpu.memory_space<hbm>>) target_semaphore(%arg10 : memref<!tpu.dma_semaphore, #tpu.memory_space<semaphore_mem>>)
    %dma_wait3A_62 = arith.constant 0 : i32
    %dma_wait3A_63 = tpu.memref_slice %arg4[%add3A_57, %dma_wait3A_62] : memref<16384x1024xf32, #tpu.memory_space<hbm>> -> memref<32x1024xf32, #tpu.memory_space<hbm>>
    %dma_wait3A_64 = arith.constant 0 : i32
    %dma_wait3A_65 = tpu.memref_slice %arg4[%add3A_57, %dma_wait3A_64] : memref<16384x1024xf32, #tpu.memory_space<hbm>> -> memref<32x1024xf32, #tpu.memory_space<hbm>>
    tpu.wait_dma2 semaphore(%arg10 : memref<!tpu.dma_semaphore, #tpu.memory_space<semaphore_mem>>) src(%arg6 : memref<32x1024xf32, #tpu.memory_space<vmem>>) dst(%dma_wait3A_65 : memref<32x1024xf32, #tpu.memory_space<hbm>>)
    %dma_start3A_66 = arith.constant 128 : i32
    %dma_start3A_67 = tpu.memref_slice %arg5[%dma_start3A_66] : memref<512xi32, #tpu.memory_space<vmem>> -> memref<32xi32, #tpu.memory_space<vmem>>
    %dma_start3A_68 = arith.constant 0 : i32
    %dma_start3A_69 = arith.constant 0 : i32
    %dma_start3A_70 = tpu.memref_slice %arg3[%dma_start3A_68, %dma_start3A_69] : memref<100000x1024xf32, #tpu.memory_space<hbm>> -> memref<100000x1024xf32, #tpu.memory_space<hbm>>
    tpu.enqueue_indirect_dma source(%dma_start3A_70 : memref<100000x1024xf32, #tpu.memory_space<hbm>>) target(%arg6 : memref<32x1024xf32, #tpu.memory_space<vmem>>) offsets(%dma_start3A_67 : memref<32xi32, #tpu.memory_space<vmem>>) semaphore(%arg8 : memref<!tpu.dma_semaphore, #tpu.memory_space<semaphore_mem>>)
    %dma_wait3A_71 = arith.constant 96 : i32
    %dma_wait3A_72 = tpu.memref_slice %arg5[%dma_wait3A_71] : memref<512xi32, #tpu.memory_space<vmem>> -> memref<32xi32, #tpu.memory_space<vmem>>
    %dma_wait3A_73 = arith.constant 0 : i32
    %dma_wait3A_74 = arith.constant 0 : i32
    %dma_wait3A_75 = tpu.memref_slice %arg3[%dma_wait3A_73, %dma_wait3A_74] : memref<100000x1024xf32, #tpu.memory_space<hbm>> -> memref<100000x1024xf32, #tpu.memory_space<hbm>>
    tpu.wait_indirect_dma semaphore(%arg9 : memref<!tpu.dma_semaphore, #tpu.memory_space<semaphore_mem>>) src(%dma_wait3A_75 : memref<100000x1024xf32, #tpu.memory_space<hbm>>) dst(%arg7 : memref<32x1024xf32, #tpu.memory_space<vmem>>)
    %add3A_76 = arith.constant 96 : i32
    %add3A_77 = arith.addi %mul3A_2, %add3A_76 : i32
    %dma_start3A_78 = arith.constant 0 : i32
    %dma_start3A_79 = tpu.memref_slice %arg4[%add3A_77, %dma_start3A_78] : memref<16384x1024xf32, #tpu.memory_space<hbm>> -> memref<32x1024xf32, #tpu.memory_space<hbm>>
    %dma_start3A_80 = arith.constant 0 : i32
    %dma_start3A_81 = tpu.memref_slice %arg4[%add3A_77, %dma_start3A_80] : memref<16384x1024xf32, #tpu.memory_space<hbm>> -> memref<32x1024xf32, #tpu.memory_space<hbm>>
    tpu.enqueue_dma source(%arg7 : memref<32x1024xf32, #tpu.memory_space<vmem>>) target(%dma_start3A_81 : memref<32x1024xf32, #tpu.memory_space<hbm>>) target_semaphore(%arg11 : memref<!tpu.dma_semaphore, #tpu.memory_space<semaphore_mem>>)
    %dma_wait3A_82 = arith.constant 0 : i32
    %dma_wait3A_83 = tpu.memref_slice %arg4[%add3A_77, %dma_wait3A_82] : memref<16384x1024xf32, #tpu.memory_space<hbm>> -> memref<32x1024xf32, #tpu.memory_space<hbm>>
    %dma_wait3A_84 = arith.constant 0 : i32
    %dma_wait3A_85 = tpu.memref_slice %arg4[%add3A_77, %dma_wait3A_84] : memref<16384x1024xf32, #tpu.memory_space<hbm>> -> memref<32x1024xf32, #tpu.memory_space<hbm>>
    tpu.wait_dma2 semaphore(%arg11 : memref<!tpu.dma_semaphore, #tpu.memory_space<semaphore_mem>>) src(%arg7 : memref<32x1024xf32, #tpu.memory_space<vmem>>) dst(%dma_wait3A_85 : memref<32x1024xf32, #tpu.memory_space<hbm>>)
    %dma_start3A_86 = arith.constant 160 : i32
    %dma_start3A_87 = tpu.memref_slice %arg5[%dma_start3A_86] : memref<512xi32, #tpu.memory_space<vmem>> -> memref<32xi32, #tpu.memory_space<vmem>>
    %dma_start3A_88 = arith.constant 0 : i32
    %dma_start3A_89 = arith.constant 0 : i32
    %dma_start3A_90 = tpu.memref_slice %arg3[%dma_start3A_88, %dma_start3A_89] : memref<100000x1024xf32, #tpu.memory_space<hbm>> -> memref<100000x1024xf32, #tpu.memory_space<hbm>>
    tpu.enqueue_indirect_dma source(%dma_start3A_90 : memref<100000x1024xf32, #tpu.memory_space<hbm>>) target(%arg7 : memref<32x1024xf32, #tpu.memory_space<vmem>>) offsets(%dma_start3A_87 : memref<32xi32, #tpu.memory_space<vmem>>) semaphore(%arg9 : memref<!tpu.dma_semaphore, #tpu.memory_space<semaphore_mem>>)
    %dma_wait3A_91 = arith.constant 128 : i32
    %dma_wait3A_92 = tpu.memref_slice %arg5[%dma_wait3A_91] : memref<512xi32, #tpu.memory_space<vmem>> -> memref<32xi32, #tpu.memory_space<vmem>>
    %dma_wait3A_93 = arith.constant 0 : i32
    %dma_wait3A_94 = arith.constant 0 : i32
    %dma_wait3A_95 = tpu.memref_slice %arg3[%dma_wait3A_93, %dma_wait3A_94] : memref<100000x1024xf32, #tpu.memory_space<hbm>> -> memref<100000x1024xf32, #tpu.memory_space<hbm>>
    tpu.wait_indirect_dma semaphore(%arg8 : memref<!tpu.dma_semaphore, #tpu.memory_space<semaphore_mem>>) src(%dma_wait3A_95 : memref<100000x1024xf32, #tpu.memory_space<hbm>>) dst(%arg6 : memref<32x1024xf32, #tpu.memory_space<vmem>>)
    %add3A_96 = arith.constant 128 : i32
    %add3A_97 = arith.addi %mul3A_2, %add3A_96 : i32
    %dma_start3A_98 = arith.constant 0 : i32
    %dma_start3A_99 = tpu.memref_slice %arg4[%add3A_97, %dma_start3A_98] : memref<16384x1024xf32, #tpu.memory_space<hbm>> -> memref<32x1024xf32, #tpu.memory_space<hbm>>
    %dma_start3A_100 = arith.constant 0 : i32
    %dma_start3A_101 = tpu.memref_slice %arg4[%add3A_97, %dma_start3A_100] : memref<16384x1024xf32, #tpu.memory_space<hbm>> -> memref<32x1024xf32, #tpu.memory_space<hbm>>
    tpu.enqueue_dma source(%arg6 : memref<32x1024xf32, #tpu.memory_space<vmem>>) target(%dma_start3A_101 : memref<32x1024xf32, #tpu.memory_space<hbm>>) target_semaphore(%arg10 : memref<!tpu.dma_semaphore, #tpu.memory_space<semaphore_mem>>)
    %dma_wait3A_102 = arith.constant 0 : i32
    %dma_wait3A_103 = tpu.memref_slice %arg4[%add3A_97, %dma_wait3A_102] : memref<16384x1024xf32, #tpu.memory_space<hbm>> -> memref<32x1024xf32, #tpu.memory_space<hbm>>
    %dma_wait3A_104 = arith.constant 0 : i32
    %dma_wait3A_105 = tpu.memref_slice %arg4[%add3A_97, %dma_wait3A_104] : memref<16384x1024xf32, #tpu.memory_space<hbm>> -> memref<32x1024xf32, #tpu.memory_space<hbm>>
    tpu.wait_dma2 semaphore(%arg10 : memref<!tpu.dma_semaphore, #tpu.memory_space<semaphore_mem>>) src(%arg6 : memref<32x1024xf32, #tpu.memory_space<vmem>>) dst(%dma_wait3A_105 : memref<32x1024xf32, #tpu.memory_space<hbm>>)
    %dma_start3A_106 = arith.constant 192 : i32
    %dma_start3A_107 = tpu.memref_slice %arg5[%dma_start3A_106] : memref<512xi32, #tpu.memory_space<vmem>> -> memref<32xi32, #tpu.memory_space<vmem>>
    %dma_start3A_108 = arith.constant 0 : i32
    %dma_start3A_109 = arith.constant 0 : i32
    %dma_start3A_110 = tpu.memref_slice %arg3[%dma_start3A_108, %dma_start3A_109] : memref<100000x1024xf32, #tpu.memory_space<hbm>> -> memref<100000x1024xf32, #tpu.memory_space<hbm>>
    tpu.enqueue_indirect_dma source(%dma_start3A_110 : memref<100000x1024xf32, #tpu.memory_space<hbm>>) target(%arg6 : memref<32x1024xf32, #tpu.memory_space<vmem>>) offsets(%dma_start3A_107 : memref<32xi32, #tpu.memory_space<vmem>>) semaphore(%arg8 : memref<!tpu.dma_semaphore, #tpu.memory_space<semaphore_mem>>)
    %dma_wait3A_111 = arith.constant 160 : i32
    %dma_wait3A_112 = tpu.memref_slice %arg5[%dma_wait3A_111] : memref<512xi32, #tpu.memory_space<vmem>> -> memref<32xi32, #tpu.memory_space<vmem>>
    %dma_wait3A_113 = arith.constant 0 : i32
    %dma_wait3A_114 = arith.constant 0 : i32
    %dma_wait3A_115 = tpu.memref_slice %arg3[%dma_wait3A_113, %dma_wait3A_114] : memref<100000x1024xf32, #tpu.memory_space<hbm>> -> memref<100000x1024xf32, #tpu.memory_space<hbm>>
    tpu.wait_indirect_dma semaphore(%arg9 : memref<!tpu.dma_semaphore, #tpu.memory_space<semaphore_mem>>) src(%dma_wait3A_115 : memref<100000x1024xf32, #tpu.memory_space<hbm>>) dst(%arg7 : memref<32x1024xf32, #tpu.memory_space<vmem>>)
    %add3A_116 = arith.constant 160 : i32
    %add3A_117 = arith.addi %mul3A_2, %add3A_116 : i32
    %dma_start3A_118 = arith.constant 0 : i32
    %dma_start3A_119 = tpu.memref_slice %arg4[%add3A_117, %dma_start3A_118] : memref<16384x1024xf32, #tpu.memory_space<hbm>> -> memref<32x1024xf32, #tpu.memory_space<hbm>>
    %dma_start3A_120 = arith.constant 0 : i32
    %dma_start3A_121 = tpu.memref_slice %arg4[%add3A_117, %dma_start3A_120] : memref<16384x1024xf32, #tpu.memory_space<hbm>> -> memref<32x1024xf32, #tpu.memory_space<hbm>>
    tpu.enqueue_dma source(%arg7 : memref<32x1024xf32, #tpu.memory_space<vmem>>) target(%dma_start3A_121 : memref<32x1024xf32, #tpu.memory_space<hbm>>) target_semaphore(%arg11 : memref<!tpu.dma_semaphore, #tpu.memory_space<semaphore_mem>>)
    %dma_wait3A_122 = arith.constant 0 : i32
    %dma_wait3A_123 = tpu.memref_slice %arg4[%add3A_117, %dma_wait3A_122] : memref<16384x1024xf32, #tpu.memory_space<hbm>> -> memref<32x1024xf32, #tpu.memory_space<hbm>>
    %dma_wait3A_124 = arith.constant 0 : i32
    %dma_wait3A_125 = tpu.memref_slice %arg4[%add3A_117, %dma_wait3A_124] : memref<16384x1024xf32, #tpu.memory_space<hbm>> -> memref<32x1024xf32, #tpu.memory_space<hbm>>
    tpu.wait_dma2 semaphore(%arg11 : memref<!tpu.dma_semaphore, #tpu.memory_space<semaphore_mem>>) src(%arg7 : memref<32x1024xf32, #tpu.memory_space<vmem>>) dst(%dma_wait3A_125 : memref<32x1024xf32, #tpu.memory_space<hbm>>)
    %dma_start3A_126 = arith.constant 224 : i32
    %dma_start3A_127 = tpu.memref_slice %arg5[%dma_start3A_126] : memref<512xi32, #tpu.memory_space<vmem>> -> memref<32xi32, #tpu.memory_space<vmem>>
    %dma_start3A_128 = arith.constant 0 : i32
    %dma_start3A_129 = arith.constant 0 : i32
    %dma_start3A_130 = tpu.memref_slice %arg3[%dma_start3A_128, %dma_start3A_129] : memref<100000x1024xf32, #tpu.memory_space<hbm>> -> memref<100000x1024xf32, #tpu.memory_space<hbm>>
    tpu.enqueue_indirect_dma source(%dma_start3A_130 : memref<100000x1024xf32, #tpu.memory_space<hbm>>) target(%arg7 : memref<32x1024xf32, #tpu.memory_space<vmem>>) offsets(%dma_start3A_127 : memref<32xi32, #tpu.memory_space<vmem>>) semaphore(%arg9 : memref<!tpu.dma_semaphore, #tpu.memory_space<semaphore_mem>>)
    %dma_wait3A_131 = arith.constant 192 : i32
    %dma_wait3A_132 = tpu.memref_slice %arg5[%dma_wait3A_131] : memref<512xi32, #tpu.memory_space<vmem>> -> memref<32xi32, #tpu.memory_space<vmem>>
    %dma_wait3A_133 = arith.constant 0 : i32
    %dma_wait3A_134 = arith.constant 0 : i32
    %dma_wait3A_135 = tpu.memref_slice %arg3[%dma_wait3A_133, %dma_wait3A_134] : memref<100000x1024xf32, #tpu.memory_space<hbm>> -> memref<100000x1024xf32, #tpu.memory_space<hbm>>
    tpu.wait_indirect_dma semaphore(%arg8 : memref<!tpu.dma_semaphore, #tpu.memory_space<semaphore_mem>>) src(%dma_wait3A_135 : memref<100000x1024xf32, #tpu.memory_space<hbm>>) dst(%arg6 : memref<32x1024xf32, #tpu.memory_space<vmem>>)
    %add3A_136 = arith.constant 192 : i32
    %add3A_137 = arith.addi %mul3A_2, %add3A_136 : i32
    %dma_start3A_138 = arith.constant 0 : i32
    %dma_start3A_139 = tpu.memref_slice %arg4[%add3A_137, %dma_start3A_138] : memref<16384x1024xf32, #tpu.memory_space<hbm>> -> memref<32x1024xf32, #tpu.memory_space<hbm>>
    %dma_start3A_140 = arith.constant 0 : i32
    %dma_start3A_141 = tpu.memref_slice %arg4[%add3A_137, %dma_start3A_140] : memref<16384x1024xf32, #tpu.memory_space<hbm>> -> memref<32x1024xf32, #tpu.memory_space<hbm>>
    tpu.enqueue_dma source(%arg6 : memref<32x1024xf32, #tpu.memory_space<vmem>>) target(%dma_start3A_141 : memref<32x1024xf32, #tpu.memory_space<hbm>>) target_semaphore(%arg10 : memref<!tpu.dma_semaphore, #tpu.memory_space<semaphore_mem>>)
    %dma_wait3A_142 = arith.constant 0 : i32
    %dma_wait3A_143 = tpu.memref_slice %arg4[%add3A_137, %dma_wait3A_142] : memref<16384x1024xf32, #tpu.memory_space<hbm>> -> memref<32x1024xf32, #tpu.memory_space<hbm>>
    %dma_wait3A_144 = arith.constant 0 : i32
    %dma_wait3A_145 = tpu.memref_slice %arg4[%add3A_137, %dma_wait3A_144] : memref<16384x1024xf32, #tpu.memory_space<hbm>> -> memref<32x1024xf32, #tpu.memory_space<hbm>>
    tpu.wait_dma2 semaphore(%arg10 : memref<!tpu.dma_semaphore, #tpu.memory_space<semaphore_mem>>) src(%arg6 : memref<32x1024xf32, #tpu.memory_space<vmem>>) dst(%dma_wait3A_145 : memref<32x1024xf32, #tpu.memory_space<hbm>>)
    %dma_start3A_146 = arith.constant 256 : i32
    %dma_start3A_147 = tpu.memref_slice %arg5[%dma_start3A_146] : memref<512xi32, #tpu.memory_space<vmem>> -> memref<32xi32, #tpu.memory_space<vmem>>
    %dma_start3A_148 = arith.constant 0 : i32
    %dma_start3A_149 = arith.constant 0 : i32
    %dma_start3A_150 = tpu.memref_slice %arg3[%dma_start3A_148, %dma_start3A_149] : memref<100000x1024xf32, #tpu.memory_space<hbm>> -> memref<100000x1024xf32, #tpu.memory_space<hbm>>
    tpu.enqueue_indirect_dma source(%dma_start3A_150 : memref<100000x1024xf32, #tpu.memory_space<hbm>>) target(%arg6 : memref<32x1024xf32, #tpu.memory_space<vmem>>) offsets(%dma_start3A_147 : memref<32xi32, #tpu.memory_space<vmem>>) semaphore(%arg8 : memref<!tpu.dma_semaphore, #tpu.memory_space<semaphore_mem>>)
    %dma_wait3A_151 = arith.constant 224 : i32
    %dma_wait3A_152 = tpu.memref_slice %arg5[%dma_wait3A_151] : memref<512xi32, #tpu.memory_space<vmem>> -> memref<32xi32, #tpu.memory_space<vmem>>
    %dma_wait3A_153 = arith.constant 0 : i32
    %dma_wait3A_154 = arith.constant 0 : i32
    %dma_wait3A_155 = tpu.memref_slice %arg3[%dma_wait3A_153, %dma_wait3A_154] : memref<100000x1024xf32, #tpu.memory_space<hbm>> -> memref<100000x1024xf32, #tpu.memory_space<hbm>>
    tpu.wait_indirect_dma semaphore(%arg9 : memref<!tpu.dma_semaphore, #tpu.memory_space<semaphore_mem>>) src(%dma_wait3A_155 : memref<100000x1024xf32, #tpu.memory_space<hbm>>) dst(%arg7 : memref<32x1024xf32, #tpu.memory_space<vmem>>)
    %add3A_156 = arith.constant 224 : i32
    %add3A_157 = arith.addi %mul3A_2, %add3A_156 : i32
    %dma_start3A_158 = arith.constant 0 : i32
    %dma_start3A_159 = tpu.memref_slice %arg4[%add3A_157, %dma_start3A_158] : memref<16384x1024xf32, #tpu.memory_space<hbm>> -> memref<32x1024xf32, #tpu.memory_space<hbm>>
    %dma_start3A_160 = arith.constant 0 : i32
    %dma_start3A_161 = tpu.memref_slice %arg4[%add3A_157, %dma_start3A_160] : memref<16384x1024xf32, #tpu.memory_space<hbm>> -> memref<32x1024xf32, #tpu.memory_space<hbm>>
    tpu.enqueue_dma source(%arg7 : memref<32x1024xf32, #tpu.memory_space<vmem>>) target(%dma_start3A_161 : memref<32x1024xf32, #tpu.memory_space<hbm>>) target_semaphore(%arg11 : memref<!tpu.dma_semaphore, #tpu.memory_space<semaphore_mem>>)
    %dma_wait3A_162 = arith.constant 0 : i32
    %dma_wait3A_163 = tpu.memref_slice %arg4[%add3A_157, %dma_wait3A_162] : memref<16384x1024xf32, #tpu.memory_space<hbm>> -> memref<32x1024xf32, #tpu.memory_space<hbm>>
    %dma_wait3A_164 = arith.constant 0 : i32
    %dma_wait3A_165 = tpu.memref_slice %arg4[%add3A_157, %dma_wait3A_164] : memref<16384x1024xf32, #tpu.memory_space<hbm>> -> memref<32x1024xf32, #tpu.memory_space<hbm>>
    tpu.wait_dma2 semaphore(%arg11 : memref<!tpu.dma_semaphore, #tpu.memory_space<semaphore_mem>>) src(%arg7 : memref<32x1024xf32, #tpu.memory_space<vmem>>) dst(%dma_wait3A_165 : memref<32x1024xf32, #tpu.memory_space<hbm>>)
    %dma_start3A_166 = arith.constant 288 : i32
    %dma_start3A_167 = tpu.memref_slice %arg5[%dma_start3A_166] : memref<512xi32, #tpu.memory_space<vmem>> -> memref<32xi32, #tpu.memory_space<vmem>>
    %dma_start3A_168 = arith.constant 0 : i32
    %dma_start3A_169 = arith.constant 0 : i32
    %dma_start3A_170 = tpu.memref_slice %arg3[%dma_start3A_168, %dma_start3A_169] : memref<100000x1024xf32, #tpu.memory_space<hbm>> -> memref<100000x1024xf32, #tpu.memory_space<hbm>>
    tpu.enqueue_indirect_dma source(%dma_start3A_170 : memref<100000x1024xf32, #tpu.memory_space<hbm>>) target(%arg7 : memref<32x1024xf32, #tpu.memory_space<vmem>>) offsets(%dma_start3A_167 : memref<32xi32, #tpu.memory_space<vmem>>) semaphore(%arg9 : memref<!tpu.dma_semaphore, #tpu.memory_space<semaphore_mem>>)
    %dma_wait3A_171 = arith.constant 256 : i32
    %dma_wait3A_172 = tpu.memref_slice %arg5[%dma_wait3A_171] : memref<512xi32, #tpu.memory_space<vmem>> -> memref<32xi32, #tpu.memory_space<vmem>>
    %dma_wait3A_173 = arith.constant 0 : i32
    %dma_wait3A_174 = arith.constant 0 : i32
    %dma_wait3A_175 = tpu.memref_slice %arg3[%dma_wait3A_173, %dma_wait3A_174] : memref<100000x1024xf32, #tpu.memory_space<hbm>> -> memref<100000x1024xf32, #tpu.memory_space<hbm>>
    tpu.wait_indirect_dma semaphore(%arg8 : memref<!tpu.dma_semaphore, #tpu.memory_space<semaphore_mem>>) src(%dma_wait3A_175 : memref<100000x1024xf32, #tpu.memory_space<hbm>>) dst(%arg6 : memref<32x1024xf32, #tpu.memory_space<vmem>>)
    %add3A_176 = arith.constant 256 : i32
    %add3A_177 = arith.addi %mul3A_2, %add3A_176 : i32
    %dma_start3A_178 = arith.constant 0 : i32
    %dma_start3A_179 = tpu.memref_slice %arg4[%add3A_177, %dma_start3A_178] : memref<16384x1024xf32, #tpu.memory_space<hbm>> -> memref<32x1024xf32, #tpu.memory_space<hbm>>
    %dma_start3A_180 = arith.constant 0 : i32
    %dma_start3A_181 = tpu.memref_slice %arg4[%add3A_177, %dma_start3A_180] : memref<16384x1024xf32, #tpu.memory_space<hbm>> -> memref<32x1024xf32, #tpu.memory_space<hbm>>
    tpu.enqueue_dma source(%arg6 : memref<32x1024xf32, #tpu.memory_space<vmem>>) target(%dma_start3A_181 : memref<32x1024xf32, #tpu.memory_space<hbm>>) target_semaphore(%arg10 : memref<!tpu.dma_semaphore, #tpu.memory_space<semaphore_mem>>)
    %dma_wait3A_182 = arith.constant 0 : i32
    %dma_wait3A_183 = tpu.memref_slice %arg4[%add3A_177, %dma_wait3A_182] : memref<16384x1024xf32, #tpu.memory_space<hbm>> -> memref<32x1024xf32, #tpu.memory_space<hbm>>
    %dma_wait3A_184 = arith.constant 0 : i32
    %dma_wait3A_185 = tpu.memref_slice %arg4[%add3A_177, %dma_wait3A_184] : memref<16384x1024xf32, #tpu.memory_space<hbm>> -> memref<32x1024xf32, #tpu.memory_space<hbm>>
    tpu.wait_dma2 semaphore(%arg10 : memref<!tpu.dma_semaphore, #tpu.memory_space<semaphore_mem>>) src(%arg6 : memref<32x1024xf32, #tpu.memory_space<vmem>>) dst(%dma_wait3A_185 : memref<32x1024xf32, #tpu.memory_space<hbm>>)
    %dma_start3A_186 = arith.constant 320 : i32
    %dma_start3A_187 = tpu.memref_slice %arg5[%dma_start3A_186] : memref<512xi32, #tpu.memory_space<vmem>> -> memref<32xi32, #tpu.memory_space<vmem>>
    %dma_start3A_188 = arith.constant 0 : i32
    %dma_start3A_189 = arith.constant 0 : i32
    %dma_start3A_190 = tpu.memref_slice %arg3[%dma_start3A_188, %dma_start3A_189] : memref<100000x1024xf32, #tpu.memory_space<hbm>> -> memref<100000x1024xf32, #tpu.memory_space<hbm>>
    tpu.enqueue_indirect_dma source(%dma_start3A_190 : memref<100000x1024xf32, #tpu.memory_space<hbm>>) target(%arg6 : memref<32x1024xf32, #tpu.memory_space<vmem>>) offsets(%dma_start3A_187 : memref<32xi32, #tpu.memory_space<vmem>>) semaphore(%arg8 : memref<!tpu.dma_semaphore, #tpu.memory_space<semaphore_mem>>)
    %dma_wait3A_191 = arith.constant 288 : i32
    %dma_wait3A_192 = tpu.memref_slice %arg5[%dma_wait3A_191] : memref<512xi32, #tpu.memory_space<vmem>> -> memref<32xi32, #tpu.memory_space<vmem>>
    %dma_wait3A_193 = arith.constant 0 : i32
    %dma_wait3A_194 = arith.constant 0 : i32
    %dma_wait3A_195 = tpu.memref_slice %arg3[%dma_wait3A_193, %dma_wait3A_194] : memref<100000x1024xf32, #tpu.memory_space<hbm>> -> memref<100000x1024xf32, #tpu.memory_space<hbm>>
    tpu.wait_indirect_dma semaphore(%arg9 : memref<!tpu.dma_semaphore, #tpu.memory_space<semaphore_mem>>) src(%dma_wait3A_195 : memref<100000x1024xf32, #tpu.memory_space<hbm>>) dst(%arg7 : memref<32x1024xf32, #tpu.memory_space<vmem>>)
    %add3A_196 = arith.constant 288 : i32
    %add3A_197 = arith.addi %mul3A_2, %add3A_196 : i32
    %dma_start3A_198 = arith.constant 0 : i32
    %dma_start3A_199 = tpu.memref_slice %arg4[%add3A_197, %dma_start3A_198] : memref<16384x1024xf32, #tpu.memory_space<hbm>> -> memref<32x1024xf32, #tpu.memory_space<hbm>>
    %dma_start3A_200 = arith.constant 0 : i32
    %dma_start3A_201 = tpu.memref_slice %arg4[%add3A_197, %dma_start3A_200] : memref<16384x1024xf32, #tpu.memory_space<hbm>> -> memref<32x1024xf32, #tpu.memory_space<hbm>>
    tpu.enqueue_dma source(%arg7 : memref<32x1024xf32, #tpu.memory_space<vmem>>) target(%dma_start3A_201 : memref<32x1024xf32, #tpu.memory_space<hbm>>) target_semaphore(%arg11 : memref<!tpu.dma_semaphore, #tpu.memory_space<semaphore_mem>>)
    %dma_wait3A_202 = arith.constant 0 : i32
    %dma_wait3A_203 = tpu.memref_slice %arg4[%add3A_197, %dma_wait3A_202] : memref<16384x1024xf32, #tpu.memory_space<hbm>> -> memref<32x1024xf32, #tpu.memory_space<hbm>>
    %dma_wait3A_204 = arith.constant 0 : i32
    %dma_wait3A_205 = tpu.memref_slice %arg4[%add3A_197, %dma_wait3A_204] : memref<16384x1024xf32, #tpu.memory_space<hbm>> -> memref<32x1024xf32, #tpu.memory_space<hbm>>
    tpu.wait_dma2 semaphore(%arg11 : memref<!tpu.dma_semaphore, #tpu.memory_space<semaphore_mem>>) src(%arg7 : memref<32x1024xf32, #tpu.memory_space<vmem>>) dst(%dma_wait3A_205 : memref<32x1024xf32, #tpu.memory_space<hbm>>)
    %dma_start3A_206 = arith.constant 352 : i32
    %dma_start3A_207 = tpu.memref_slice %arg5[%dma_start3A_206] : memref<512xi32, #tpu.memory_space<vmem>> -> memref<32xi32, #tpu.memory_space<vmem>>
    %dma_start3A_208 = arith.constant 0 : i32
    %dma_start3A_209 = arith.constant 0 : i32
    %dma_start3A_210 = tpu.memref_slice %arg3[%dma_start3A_208, %dma_start3A_209] : memref<100000x1024xf32, #tpu.memory_space<hbm>> -> memref<100000x1024xf32, #tpu.memory_space<hbm>>
    tpu.enqueue_indirect_dma source(%dma_start3A_210 : memref<100000x1024xf32, #tpu.memory_space<hbm>>) target(%arg7 : memref<32x1024xf32, #tpu.memory_space<vmem>>) offsets(%dma_start3A_207 : memref<32xi32, #tpu.memory_space<vmem>>) semaphore(%arg9 : memref<!tpu.dma_semaphore, #tpu.memory_space<semaphore_mem>>)
    %dma_wait3A_211 = arith.constant 320 : i32
    %dma_wait3A_212 = tpu.memref_slice %arg5[%dma_wait3A_211] : memref<512xi32, #tpu.memory_space<vmem>> -> memref<32xi32, #tpu.memory_space<vmem>>
    %dma_wait3A_213 = arith.constant 0 : i32
    %dma_wait3A_214 = arith.constant 0 : i32
    %dma_wait3A_215 = tpu.memref_slice %arg3[%dma_wait3A_213, %dma_wait3A_214] : memref<100000x1024xf32, #tpu.memory_space<hbm>> -> memref<100000x1024xf32, #tpu.memory_space<hbm>>
    tpu.wait_indirect_dma semaphore(%arg8 : memref<!tpu.dma_semaphore, #tpu.memory_space<semaphore_mem>>) src(%dma_wait3A_215 : memref<100000x1024xf32, #tpu.memory_space<hbm>>) dst(%arg6 : memref<32x1024xf32, #tpu.memory_space<vmem>>)
    %add3A_216 = arith.constant 320 : i32
    %add3A_217 = arith.addi %mul3A_2, %add3A_216 : i32
    %dma_start3A_218 = arith.constant 0 : i32
    %dma_start3A_219 = tpu.memref_slice %arg4[%add3A_217, %dma_start3A_218] : memref<16384x1024xf32, #tpu.memory_space<hbm>> -> memref<32x1024xf32, #tpu.memory_space<hbm>>
    %dma_start3A_220 = arith.constant 0 : i32
    %dma_start3A_221 = tpu.memref_slice %arg4[%add3A_217, %dma_start3A_220] : memref<16384x1024xf32, #tpu.memory_space<hbm>> -> memref<32x1024xf32, #tpu.memory_space<hbm>>
    tpu.enqueue_dma source(%arg6 : memref<32x1024xf32, #tpu.memory_space<vmem>>) target(%dma_start3A_221 : memref<32x1024xf32, #tpu.memory_space<hbm>>) target_semaphore(%arg10 : memref<!tpu.dma_semaphore, #tpu.memory_space<semaphore_mem>>)
    %dma_wait3A_222 = arith.constant 0 : i32
    %dma_wait3A_223 = tpu.memref_slice %arg4[%add3A_217, %dma_wait3A_222] : memref<16384x1024xf32, #tpu.memory_space<hbm>> -> memref<32x1024xf32, #tpu.memory_space<hbm>>
    %dma_wait3A_224 = arith.constant 0 : i32
    %dma_wait3A_225 = tpu.memref_slice %arg4[%add3A_217, %dma_wait3A_224] : memref<16384x1024xf32, #tpu.memory_space<hbm>> -> memref<32x1024xf32, #tpu.memory_space<hbm>>
    tpu.wait_dma2 semaphore(%arg10 : memref<!tpu.dma_semaphore, #tpu.memory_space<semaphore_mem>>) src(%arg6 : memref<32x1024xf32, #tpu.memory_space<vmem>>) dst(%dma_wait3A_225 : memref<32x1024xf32, #tpu.memory_space<hbm>>)
    %dma_start3A_226 = arith.constant 384 : i32
    %dma_start3A_227 = tpu.memref_slice %arg5[%dma_start3A_226] : memref<512xi32, #tpu.memory_space<vmem>> -> memref<32xi32, #tpu.memory_space<vmem>>
    %dma_start3A_228 = arith.constant 0 : i32
    %dma_start3A_229 = arith.constant 0 : i32
    %dma_start3A_230 = tpu.memref_slice %arg3[%dma_start3A_228, %dma_start3A_229] : memref<100000x1024xf32, #tpu.memory_space<hbm>> -> memref<100000x1024xf32, #tpu.memory_space<hbm>>
    tpu.enqueue_indirect_dma source(%dma_start3A_230 : memref<100000x1024xf32, #tpu.memory_space<hbm>>) target(%arg6 : memref<32x1024xf32, #tpu.memory_space<vmem>>) offsets(%dma_start3A_227 : memref<32xi32, #tpu.memory_space<vmem>>) semaphore(%arg8 : memref<!tpu.dma_semaphore, #tpu.memory_space<semaphore_mem>>)
    %dma_wait3A_231 = arith.constant 352 : i32
    %dma_wait3A_232 = tpu.memref_slice %arg5[%dma_wait3A_231] : memref<512xi32, #tpu.memory_space<vmem>> -> memref<32xi32, #tpu.memory_space<vmem>>
    %dma_wait3A_233 = arith.constant 0 : i32
    %dma_wait3A_234 = arith.constant 0 : i32
    %dma_wait3A_235 = tpu.memref_slice %arg3[%dma_wait3A_233, %dma_wait3A_234] : memref<100000x1024xf32, #tpu.memory_space<hbm>> -> memref<100000x1024xf32, #tpu.memory_space<hbm>>
    tpu.wait_indirect_dma semaphore(%arg9 : memref<!tpu.dma_semaphore, #tpu.memory_space<semaphore_mem>>) src(%dma_wait3A_235 : memref<100000x1024xf32, #tpu.memory_space<hbm>>) dst(%arg7 : memref<32x1024xf32, #tpu.memory_space<vmem>>)
    %add3A_236 = arith.constant 352 : i32
    %add3A_237 = arith.addi %mul3A_2, %add3A_236 : i32
    %dma_start3A_238 = arith.constant 0 : i32
    %dma_start3A_239 = tpu.memref_slice %arg4[%add3A_237, %dma_start3A_238] : memref<16384x1024xf32, #tpu.memory_space<hbm>> -> memref<32x1024xf32, #tpu.memory_space<hbm>>
    %dma_start3A_240 = arith.constant 0 : i32
    %dma_start3A_241 = tpu.memref_slice %arg4[%add3A_237, %dma_start3A_240] : memref<16384x1024xf32, #tpu.memory_space<hbm>> -> memref<32x1024xf32, #tpu.memory_space<hbm>>
    tpu.enqueue_dma source(%arg7 : memref<32x1024xf32, #tpu.memory_space<vmem>>) target(%dma_start3A_241 : memref<32x1024xf32, #tpu.memory_space<hbm>>) target_semaphore(%arg11 : memref<!tpu.dma_semaphore, #tpu.memory_space<semaphore_mem>>)
    %dma_wait3A_242 = arith.constant 0 : i32
    %dma_wait3A_243 = tpu.memref_slice %arg4[%add3A_237, %dma_wait3A_242] : memref<16384x1024xf32, #tpu.memory_space<hbm>> -> memref<32x1024xf32, #tpu.memory_space<hbm>>
    %dma_wait3A_244 = arith.constant 0 : i32
    %dma_wait3A_245 = tpu.memref_slice %arg4[%add3A_237, %dma_wait3A_244] : memref<16384x1024xf32, #tpu.memory_space<hbm>> -> memref<32x1024xf32, #tpu.memory_space<hbm>>
    tpu.wait_dma2 semaphore(%arg11 : memref<!tpu.dma_semaphore, #tpu.memory_space<semaphore_mem>>) src(%arg7 : memref<32x1024xf32, #tpu.memory_space<vmem>>) dst(%dma_wait3A_245 : memref<32x1024xf32, #tpu.memory_space<hbm>>)
    %dma_start3A_246 = arith.constant 416 : i32
    %dma_start3A_247 = tpu.memref_slice %arg5[%dma_start3A_246] : memref<512xi32, #tpu.memory_space<vmem>> -> memref<32xi32, #tpu.memory_space<vmem>>
    %dma_start3A_248 = arith.constant 0 : i32
    %dma_start3A_249 = arith.constant 0 : i32
    %dma_start3A_250 = tpu.memref_slice %arg3[%dma_start3A_248, %dma_start3A_249] : memref<100000x1024xf32, #tpu.memory_space<hbm>> -> memref<100000x1024xf32, #tpu.memory_space<hbm>>
    tpu.enqueue_indirect_dma source(%dma_start3A_250 : memref<100000x1024xf32, #tpu.memory_space<hbm>>) target(%arg7 : memref<32x1024xf32, #tpu.memory_space<vmem>>) offsets(%dma_start3A_247 : memref<32xi32, #tpu.memory_space<vmem>>) semaphore(%arg9 : memref<!tpu.dma_semaphore, #tpu.memory_space<semaphore_mem>>)
    %dma_wait3A_251 = arith.constant 384 : i32
    %dma_wait3A_252 = tpu.memref_slice %arg5[%dma_wait3A_251] : memref<512xi32, #tpu.memory_space<vmem>> -> memref<32xi32, #tpu.memory_space<vmem>>
    %dma_wait3A_253 = arith.constant 0 : i32
    %dma_wait3A_254 = arith.constant 0 : i32
    %dma_wait3A_255 = tpu.memref_slice %arg3[%dma_wait3A_253, %dma_wait3A_254] : memref<100000x1024xf32, #tpu.memory_space<hbm>> -> memref<100000x1024xf32, #tpu.memory_space<hbm>>
    tpu.wait_indirect_dma semaphore(%arg8 : memref<!tpu.dma_semaphore, #tpu.memory_space<semaphore_mem>>) src(%dma_wait3A_255 : memref<100000x1024xf32, #tpu.memory_space<hbm>>) dst(%arg6 : memref<32x1024xf32, #tpu.memory_space<vmem>>)
    %add3A_256 = arith.constant 384 : i32
    %add3A_257 = arith.addi %mul3A_2, %add3A_256 : i32
    %dma_start3A_258 = arith.constant 0 : i32
    %dma_start3A_259 = tpu.memref_slice %arg4[%add3A_257, %dma_start3A_258] : memref<16384x1024xf32, #tpu.memory_space<hbm>> -> memref<32x1024xf32, #tpu.memory_space<hbm>>
    %dma_start3A_260 = arith.constant 0 : i32
    %dma_start3A_261 = tpu.memref_slice %arg4[%add3A_257, %dma_start3A_260] : memref<16384x1024xf32, #tpu.memory_space<hbm>> -> memref<32x1024xf32, #tpu.memory_space<hbm>>
    tpu.enqueue_dma source(%arg6 : memref<32x1024xf32, #tpu.memory_space<vmem>>) target(%dma_start3A_261 : memref<32x1024xf32, #tpu.memory_space<hbm>>) target_semaphore(%arg10 : memref<!tpu.dma_semaphore, #tpu.memory_space<semaphore_mem>>)
    %dma_wait3A_262 = arith.constant 0 : i32
    %dma_wait3A_263 = tpu.memref_slice %arg4[%add3A_257, %dma_wait3A_262] : memref<16384x1024xf32, #tpu.memory_space<hbm>> -> memref<32x1024xf32, #tpu.memory_space<hbm>>
    %dma_wait3A_264 = arith.constant 0 : i32
    %dma_wait3A_265 = tpu.memref_slice %arg4[%add3A_257, %dma_wait3A_264] : memref<16384x1024xf32, #tpu.memory_space<hbm>> -> memref<32x1024xf32, #tpu.memory_space<hbm>>
    tpu.wait_dma2 semaphore(%arg10 : memref<!tpu.dma_semaphore, #tpu.memory_space<semaphore_mem>>) src(%arg6 : memref<32x1024xf32, #tpu.memory_space<vmem>>) dst(%dma_wait3A_265 : memref<32x1024xf32, #tpu.memory_space<hbm>>)
    %dma_start3A_266 = arith.constant 448 : i32
    %dma_start3A_267 = tpu.memref_slice %arg5[%dma_start3A_266] : memref<512xi32, #tpu.memory_space<vmem>> -> memref<32xi32, #tpu.memory_space<vmem>>
    %dma_start3A_268 = arith.constant 0 : i32
    %dma_start3A_269 = arith.constant 0 : i32
    %dma_start3A_270 = tpu.memref_slice %arg3[%dma_start3A_268, %dma_start3A_269] : memref<100000x1024xf32, #tpu.memory_space<hbm>> -> memref<100000x1024xf32, #tpu.memory_space<hbm>>
    tpu.enqueue_indirect_dma source(%dma_start3A_270 : memref<100000x1024xf32, #tpu.memory_space<hbm>>) target(%arg6 : memref<32x1024xf32, #tpu.memory_space<vmem>>) offsets(%dma_start3A_267 : memref<32xi32, #tpu.memory_space<vmem>>) semaphore(%arg8 : memref<!tpu.dma_semaphore, #tpu.memory_space<semaphore_mem>>)
    %dma_wait3A_271 = arith.constant 416 : i32
    %dma_wait3A_272 = tpu.memref_slice %arg5[%dma_wait3A_271] : memref<512xi32, #tpu.memory_space<vmem>> -> memref<32xi32, #tpu.memory_space<vmem>>
    %dma_wait3A_273 = arith.constant 0 : i32
    %dma_wait3A_274 = arith.constant 0 : i32
    %dma_wait3A_275 = tpu.memref_slice %arg3[%dma_wait3A_273, %dma_wait3A_274] : memref<100000x1024xf32, #tpu.memory_space<hbm>> -> memref<100000x1024xf32, #tpu.memory_space<hbm>>
    tpu.wait_indirect_dma semaphore(%arg9 : memref<!tpu.dma_semaphore, #tpu.memory_space<semaphore_mem>>) src(%dma_wait3A_275 : memref<100000x1024xf32, #tpu.memory_space<hbm>>) dst(%arg7 : memref<32x1024xf32, #tpu.memory_space<vmem>>)
    %add3A_276 = arith.constant 416 : i32
    %add3A_277 = arith.addi %mul3A_2, %add3A_276 : i32
    %dma_start3A_278 = arith.constant 0 : i32
    %dma_start3A_279 = tpu.memref_slice %arg4[%add3A_277, %dma_start3A_278] : memref<16384x1024xf32, #tpu.memory_space<hbm>> -> memref<32x1024xf32, #tpu.memory_space<hbm>>
    %dma_start3A_280 = arith.constant 0 : i32
    %dma_start3A_281 = tpu.memref_slice %arg4[%add3A_277, %dma_start3A_280] : memref<16384x1024xf32, #tpu.memory_space<hbm>> -> memref<32x1024xf32, #tpu.memory_space<hbm>>
    tpu.enqueue_dma source(%arg7 : memref<32x1024xf32, #tpu.memory_space<vmem>>) target(%dma_start3A_281 : memref<32x1024xf32, #tpu.memory_space<hbm>>) target_semaphore(%arg11 : memref<!tpu.dma_semaphore, #tpu.memory_space<semaphore_mem>>)
    %dma_wait3A_282 = arith.constant 0 : i32
    %dma_wait3A_283 = tpu.memref_slice %arg4[%add3A_277, %dma_wait3A_282] : memref<16384x1024xf32, #tpu.memory_space<hbm>> -> memref<32x1024xf32, #tpu.memory_space<hbm>>
    %dma_wait3A_284 = arith.constant 0 : i32
    %dma_wait3A_285 = tpu.memref_slice %arg4[%add3A_277, %dma_wait3A_284] : memref<16384x1024xf32, #tpu.memory_space<hbm>> -> memref<32x1024xf32, #tpu.memory_space<hbm>>
    tpu.wait_dma2 semaphore(%arg11 : memref<!tpu.dma_semaphore, #tpu.memory_space<semaphore_mem>>) src(%arg7 : memref<32x1024xf32, #tpu.memory_space<vmem>>) dst(%dma_wait3A_285 : memref<32x1024xf32, #tpu.memory_space<hbm>>)
    %dma_start3A_286 = arith.constant 480 : i32
    %dma_start3A_287 = tpu.memref_slice %arg5[%dma_start3A_286] : memref<512xi32, #tpu.memory_space<vmem>> -> memref<32xi32, #tpu.memory_space<vmem>>
    %dma_start3A_288 = arith.constant 0 : i32
    %dma_start3A_289 = arith.constant 0 : i32
    %dma_start3A_290 = tpu.memref_slice %arg3[%dma_start3A_288, %dma_start3A_289] : memref<100000x1024xf32, #tpu.memory_space<hbm>> -> memref<100000x1024xf32, #tpu.memory_space<hbm>>
    tpu.enqueue_indirect_dma source(%dma_start3A_290 : memref<100000x1024xf32, #tpu.memory_space<hbm>>) target(%arg7 : memref<32x1024xf32, #tpu.memory_space<vmem>>) offsets(%dma_start3A_287 : memref<32xi32, #tpu.memory_space<vmem>>) semaphore(%arg9 : memref<!tpu.dma_semaphore, #tpu.memory_space<semaphore_mem>>)
    %dma_wait3A_291 = arith.constant 448 : i32
    %dma_wait3A_292 = tpu.memref_slice %arg5[%dma_wait3A_291] : memref<512xi32, #tpu.memory_space<vmem>> -> memref<32xi32, #tpu.memory_space<vmem>>
    %dma_wait3A_293 = arith.constant 0 : i32
    %dma_wait3A_294 = arith.constant 0 : i32
    %dma_wait3A_295 = tpu.memref_slice %arg3[%dma_wait3A_293, %dma_wait3A_294] : memref<100000x1024xf32, #tpu.memory_space<hbm>> -> memref<100000x1024xf32, #tpu.memory_space<hbm>>
    tpu.wait_indirect_dma semaphore(%arg8 : memref<!tpu.dma_semaphore, #tpu.memory_space<semaphore_mem>>) src(%dma_wait3A_295 : memref<100000x1024xf32, #tpu.memory_space<hbm>>) dst(%arg6 : memref<32x1024xf32, #tpu.memory_space<vmem>>)
    %add3A_296 = arith.constant 448 : i32
    %add3A_297 = arith.addi %mul3A_2, %add3A_296 : i32
    %dma_start3A_298 = arith.constant 0 : i32
    %dma_start3A_299 = tpu.memref_slice %arg4[%add3A_297, %dma_start3A_298] : memref<16384x1024xf32, #tpu.memory_space<hbm>> -> memref<32x1024xf32, #tpu.memory_space<hbm>>
    %dma_start3A_300 = arith.constant 0 : i32
    %dma_start3A_301 = tpu.memref_slice %arg4[%add3A_297, %dma_start3A_300] : memref<16384x1024xf32, #tpu.memory_space<hbm>> -> memref<32x1024xf32, #tpu.memory_space<hbm>>
    tpu.enqueue_dma source(%arg6 : memref<32x1024xf32, #tpu.memory_space<vmem>>) target(%dma_start3A_301 : memref<32x1024xf32, #tpu.memory_space<hbm>>) target_semaphore(%arg10 : memref<!tpu.dma_semaphore, #tpu.memory_space<semaphore_mem>>)
    %dma_wait3A_302 = arith.constant 0 : i32
    %dma_wait3A_303 = tpu.memref_slice %arg4[%add3A_297, %dma_wait3A_302] : memref<16384x1024xf32, #tpu.memory_space<hbm>> -> memref<32x1024xf32, #tpu.memory_space<hbm>>
    %dma_wait3A_304 = arith.constant 0 : i32
    %dma_wait3A_305 = tpu.memref_slice %arg4[%add3A_297, %dma_wait3A_304] : memref<16384x1024xf32, #tpu.memory_space<hbm>> -> memref<32x1024xf32, #tpu.memory_space<hbm>>
    tpu.wait_dma2 semaphore(%arg10 : memref<!tpu.dma_semaphore, #tpu.memory_space<semaphore_mem>>) src(%arg6 : memref<32x1024xf32, #tpu.memory_space<vmem>>) dst(%dma_wait3A_305 : memref<32x1024xf32, #tpu.memory_space<hbm>>)
    %dma_wait3A_306 = arith.constant 480 : i32
    %dma_wait3A_307 = tpu.memref_slice %arg5[%dma_wait3A_306] : memref<512xi32, #tpu.memory_space<vmem>> -> memref<32xi32, #tpu.memory_space<vmem>>
    %dma_wait3A_308 = arith.constant 0 : i32
    %dma_wait3A_309 = arith.constant 0 : i32
    %dma_wait3A_310 = tpu.memref_slice %arg3[%dma_wait3A_308, %dma_wait3A_309] : memref<100000x1024xf32, #tpu.memory_space<hbm>> -> memref<100000x1024xf32, #tpu.memory_space<hbm>>
    tpu.wait_indirect_dma semaphore(%arg9 : memref<!tpu.dma_semaphore, #tpu.memory_space<semaphore_mem>>) src(%dma_wait3A_310 : memref<100000x1024xf32, #tpu.memory_space<hbm>>) dst(%arg7 : memref<32x1024xf32, #tpu.memory_space<vmem>>)
    %add3A_311 = arith.constant 480 : i32
    %add3A_312 = arith.addi %mul3A_2, %add3A_311 : i32
    %dma_start3A_313 = arith.constant 0 : i32
    %dma_start3A_314 = tpu.memref_slice %arg4[%add3A_312, %dma_start3A_313] : memref<16384x1024xf32, #tpu.memory_space<hbm>> -> memref<32x1024xf32, #tpu.memory_space<hbm>>
    %dma_start3A_315 = arith.constant 0 : i32
    %dma_start3A_316 = tpu.memref_slice %arg4[%add3A_312, %dma_start3A_315] : memref<16384x1024xf32, #tpu.memory_space<hbm>> -> memref<32x1024xf32, #tpu.memory_space<hbm>>
    tpu.enqueue_dma source(%arg7 : memref<32x1024xf32, #tpu.memory_space<vmem>>) target(%dma_start3A_316 : memref<32x1024xf32, #tpu.memory_space<hbm>>) target_semaphore(%arg11 : memref<!tpu.dma_semaphore, #tpu.memory_space<semaphore_mem>>)
    %dma_wait3A_317 = arith.constant 0 : i32
    %dma_wait3A_318 = tpu.memref_slice %arg4[%add3A_312, %dma_wait3A_317] : memref<16384x1024xf32, #tpu.memory_space<hbm>> -> memref<32x1024xf32, #tpu.memory_space<hbm>>
    %dma_wait3A_319 = arith.constant 0 : i32
    %dma_wait3A_320 = tpu.memref_slice %arg4[%add3A_312, %dma_wait3A_319] : memref<16384x1024xf32, #tpu.memory_space<hbm>> -> memref<32x1024xf32, #tpu.memory_space<hbm>>
    tpu.wait_dma2 semaphore(%arg11 : memref<!tpu.dma_semaphore, #tpu.memory_space<semaphore_mem>>) src(%arg7 : memref<32x1024xf32, #tpu.memory_space<vmem>>) dst(%dma_wait3A_320 : memref<32x1024xf32, #tpu.memory_space<hbm>>)
    return
  }
}

</mosaic_0001>

<sc_bundles>
// kernel: kernel.3.cloned.1.call-start
scs
__scs_entry_jumppad:
0x0: {  	(pc) =	sbr.rel $0x88, $3  }
0x1: {  	(tag) =	ssettag $0x0;
	lr =	simm.s32 $0x1  }
0x2: {  	[smem:$0x3F9F] =	sst lr;
	_ =	strace $0xD0000000  }
0x3: {  	_ = 	snop  }
0x4: {  	_ = 	snop  }
0x5: {  	_ = 	snop  }
0x6: {  	_ = 	snop  }
0x7: {  	_ = 	snop  }
__scs_overlays_trampoline_lowered:
0x8: {  	[smem:$0x3FAE] =	sst s0  }
0x9: {  	[smem:$0x3FAF] =	sst s1  }
0xa: {  	[smem:$0x3FB0] =	sst s2  }
0xb: {  	[smem:$0x3FB1] =	sst s3  }
0xc: {  	[smem:$0x3FB2] =	sst s4  }
0xd: {  	[smem:$0x3FB3] =	sst s5  }
0xe: {  	[smem:$0x3FB4] =	sst s6  }
0xf: {  	[smem:$0x3FB5] =	sst s7  }
0x10: {  	[smem:$0x3FB6] =	sst s8  }
0x11: {  	[smem:$0x3FB7] =	sst s9;
	s0 =	simm.s32 @!p0 $0x0  }
0x12: {  	s1 =	sld [smem:$0x3F9D];
	s0 =	simm.s32 @p0 $0x1  }
0x13: {  	[smem:$0x3FB8] =	sst s0;
	s0 =	simm.s32 @!p1 $0x0  }
0x14: {  	s2 =	sld [smem:$0x3F9C];
	s0 =	simm.s32 @p1 $0x1  }
0x15: {  	[smem:$0x3FB9] =	sst s0;
	s0 =	simm.s32 @!p2 $0x0  }
0x16: {  	s3 =	sld [smem:$0x3FDB];
	s0 =	simm.s32 @p2 $0x1  }
0x17: {  	s4 =	simm.s32 $0x1BF5;
	[smem:$0x3FBB] =	sst s0  }
0x18: {  	s0 =	sld [smem:$0x3F9E];
	_ =	swait.ge [sflag:s4], $0x0  }
0x19: {  	s7 =	sld [smem:$0x3F9F]  }
0x1a: {  	s8 =	sadd.s32 $0xFFFFE003, lr  }
0x1b: {  	s9 =	sadd.s32 $0xFFFFFEF7, lr;
	s5 =	simm.s32 $0xFFFFFFFF;
	p2 =	slt.u32 s8, $0xFFFFF086  }
0x1c: {  	p1 =	slt.u32 s9, $0xF7A;
	s5 =	simm.s32 @!p2 $0x0  }
0x1d: {  	s5 =	simm.s32 @p1 $0x1;
	p0 =	seq.s32 s7, s2  }
0x1e: {  	s7 =	smul.u32 @!p0 $0xF7A, s2;
	p2 =	seq.s32 @!p0 s5, $0x0  }
0x1f: {  	s9 =	smul.u32 $0xF7A, s1;
	s8 =	simm.s32 @!p0 $0x1BF5;
	p2 =	por !p2, p0  }
0x20: {  	[sflag:s8] =	ssyncset.s32 @!p0 $0xFFFFF086;
	s6 =	sadd.s32 @!p0 s3, s7;
	s7 =	simm.s32 @!p0 $0x108  }
0x21: {  	s3 =	sadd.s32 s3, s9;
	s6 =	sadd.s32 @!p0 $0x88, s6;
	s7 =	simm.s32 @p2 $0x1082  }
0x22: {  	[simem:s7], [sflag:s8] =	dma.local @!p0 [hbm:s6], $0xF7A  }
0x23: {  	s9 =	sor.u32 $0xD0000000, s2;
	s6 =	simm.s32 $0x108;
	_ =	swait.ge @!p0 [sflag:s8], $0x0  }
0x24: {  	s3 =	sadd.s32 $0x88, s3;
	s6 =	simm.s32 @!p1 $0x1082;
	[sflag:s4] =	ssyncset.s32 $0xFFFFF086  }
0x25: {  	[simem:s6], [sflag:s4] =	dma.local [hbm:s3], $0xF7A  }
0x26: {  	[smem:$0x3F9F] =	sst s1;
	(tag) =	ssettag s2;
	_ =	strace s9  }
0x27: {  	s1 =	sld [smem:$0x3FAF]  }
0x28: {  	s2 =	sld [smem:$0x3FB0]  }
0x29: {  	s4 =	sld [smem:$0x3FB2]  }
0x2a: {  	p0 =	seq.s32 s5, $0x0;
	s5 =	sld [smem:$0x3FB3]  }
0x2b: {  	s6 =	sld [smem:$0x3FB4]  }
0x2c: {  	s7 =	sld [smem:$0x3FB5]  }
0x2d: {  	s3 =	simm.s32 $0x108;
	s8 =	sld [smem:$0x3FB6]  }
0x2e: {  	s3 =	simm.s32 @!p0 $0x1082;
	s9 =	sld [smem:$0x3FB7]  }
0x2f: {  	lr =	sadd.s32 s0, s3;
	s0 =	sld [smem:$0x3FAE]  }
0x30: {  	s3 =	sld [smem:$0x3FB1]  }
0x31: {  	[smem:$0x3FBA] =	sst s10  }
0x32: {  	s10 =	sld [smem:$0x3FB8];
	_ =	sdelay $0x3  }
0x33: {  	p0 =	seq.s32 s10, $0x1;
	s10 =	sld [smem:$0x3FBA];
	_ =	sdelay $0x3  }
0x34: {  	[smem:$0x3FBA] =	sst s10  }
0x35: {  	s10 =	sld [smem:$0x3FB9];
	_ =	sdelay $0x3  }
0x36: {  	p1 =	seq.s32 s10, $0x1;
	s10 =	sld [smem:$0x3FBA];
	_ =	sdelay $0x3  }
0x37: {  	[smem:$0x3FBA] =	sst s10  }
0x38: {  	s10 =	sld [smem:$0x3FBB]  }
0x39: {  	_ = 	snop;
	(pc) =	sbr.ind lr, $3  }
0x3a: {  	_ = 	snop  }
0x3b: {  	_ = 	snop  }
0x3c: {  	p2 =	seq.s32 s10, $0x1;
	s10 =	sld [smem:$0x3FBA]  }
0x3d: {  	_ =	shalt  }
0x3e: {  	_ =	shalt  }
0x3f: {  	_ =	shalt  }
0x40: {  	_ =	shalt  }
0x41: {  	_ =	shalt  }
0x42: {  	_ =	shalt  }
0x43: {  	_ =	shalt  }
0x44: {  	_ =	shalt  }
0x45: {  	_ =	shalt  }
0x46: {  	_ =	shalt  }
0x47: {  	_ =	shalt  }
0x48: {  	_ =	shalt  }
0x49: {  	_ =	shalt  }
0x4a: {  	_ =	shalt  }
0x4b: {  	_ =	shalt  }
0x4c: {  	_ =	shalt  }
0x4d: {  	_ =	shalt  }
0x4e: {  	_ =	shalt  }
0x4f: {  	_ =	shalt  }
0x50: {  	_ =	shalt  }
0x51: {  	_ =	shalt  }
0x52: {  	_ =	shalt  }
0x53: {  	_ =	shalt  }
0x54: {  	_ =	shalt  }
0x55: {  	_ =	shalt  }
0x56: {  	_ =	shalt  }
0x57: {  	_ =	shalt  }
0x58: {  	_ =	shalt  }
0x59: {  	_ =	shalt  }
0x5a: {  	_ =	shalt  }
0x5b: {  	_ =	shalt  }
0x5c: {  	_ =	shalt  }
0x5d: {  	_ =	shalt  }
0x5e: {  	_ =	shalt  }
0x5f: {  	_ =	shalt  }
0x60: {  	_ =	shalt  }
0x61: {  	_ =	shalt  }
0x62: {  	_ =	shalt  }
0x63: {  	_ =	shalt  }
0x64: {  	_ =	shalt  }
0x65: {  	_ =	shalt  }
0x66: {  	_ =	shalt  }
0x67: {  	_ =	shalt  }
0x68: {  	_ =	shalt  }
0x69: {  	_ =	shalt  }
0x6a: {  	_ =	shalt  }
0x6b: {  	_ =	shalt  }
0x6c: {  	_ =	shalt  }
0x6d: {  	_ =	shalt  }
0x6e: {  	_ =	shalt  }
0x6f: {  	_ =	shalt  }
0x70: {  	_ =	shalt  }
0x71: {  	_ =	shalt  }
0x72: {  	_ =	shalt  }
0x73: {  	_ =	shalt  }
0x74: {  	_ =	shalt  }
0x75: {  	_ =	shalt  }
0x76: {  	_ =	shalt  }
0x77: {  	_ =	shalt  }
0x78: {  	_ =	shalt  }
0x79: {  	_ =	shalt  }
0x7a: {  	_ =	shalt  }
0x7b: {  	_ =	shalt  }
0x7c: {  	_ =	shalt  }
0x7d: {  	_ =	shalt  }
0x7e: {  	_ =	shalt  }
0x7f: {  	_ =	shalt  }
0x80: {  	_ =	shalt  }
0x81: {  	_ =	shalt  }
0x82: {  	_ =	shalt  }
0x83: {  	_ =	shalt  }
0x84: {  	_ =	shalt  }
0x85: {  	_ =	shalt  }
0x86: {  	_ =	shalt  }
0x87: {  	_ =	shalt  }
.Lfunc_end0:
.L_simem_size_0:
called_computation_lowered:
.L_overlay_start_0:
0x88: {  	s2 =	sld [smem:$0x3FD9]  }
0x89: {  	s3 =	sld [smem:$0x3FFE];
	_ =	sdelay $0x1  }
0x8a: {  	s1 =	srdreg.scid  }
0x8b: {  	s0 =	sand.u32 $0x1, s1  }
0x8c: {  	s17 =	sshll.u32 s0, $0xA;
	s2 =	sadd.s32 s3, s2  }
0x8d: {  	s2 =	sadd.s32 s2, s17  }
0x8e: {  	[smem:$0x3FC6] =	sst s2  }
0x8f: {  	_ = 	snop  }
0x90: {  	s2 =	sld [smem:$0x3FC8]  }
0x91: {  	s18 =	sld [smem:$0x3FD0];
	(tm) =	ssettm $0x1  }
0x92: {  	s4 =	sld [smem:$0x3FFB];
	_ =	sdelay $0x3  }
0x93: {  	_ =	strace s4  }
0x94: {  	s4 =	sld [smem:$0x3FFC];
	_ =	sdelay $0x3  }
0x95: {  	_ =	strace s4  }
0x96: {  	s4 =	sld [smem:$0x3FFD];
	_ =	sdelay $0x3  }
0x97: {  	_ =	strace s4  }
0x98: {  	_ =	strace $0x8FFFFFFF  }
0x99: {  	s19 =	sld [smem:$0x3FDB];
	_ =	sdelay $0x1  }
0x9a: {  	s5 =	simm.s32 $_scs_section_size  }
0x9b: {  	s6 =	simm.s32 $_size__tile_overlayer_lowered;
	s7 =	simm.s32 $_tile_overlayer_lowered  }
0x9c: {  	s22 =	simm.s32 $0x1BFF;
	s21 =	sshll.u32 s7, $0x1;
	s4 =	sadd.s32 s5, s19  }
0x9d: {  	s8 =	simm.s32 $0x0;
	s20 =	sshll.u32 s6, $0x1;
	s6 =	sadd.s32 s21, s4  }
0x9e: {  	[timem:s8], [sflag:s22] =	dma.local [hbm:s6], s20  }
0x9f: {  	_ =	swait.ge [sflag:s22], s20  }
0xa0: {  	s5 =	ssub.s32 $0x0, s20;
	[sflag:s22] =	ssyncset.done $0x0  }
0xa1: {  	[sflag:s22] =	ssyncadd.s32 s5;
	_ =	sdelay $0x1  }
0xa2: {  	s23 =	simm.s32 $0x1B8B  }
0xa3: {  	_ =	swait.ge [sflag:s23], $0x1  }
0xa4: {  	[sflag:s23] =	ssyncset.done $0x0  }
0xa5: {  	s25 =	simm.s32 $0x1B8E;
	s24 =	sld [smem:$0x3FFE];
	[sflag:s23] =	ssyncadd.s32 $0xFFFFFFFF  }
0xa6: {  	s26 =	simm.s32 $execute0_lowered;
	[smem:$0x3FD2] =	sst s25  }
0xa7: {  	s6 =	sshll.u32 s26, $0x1;
	_ =	strace $0x80000046;
	[dreg:$0x1] =	wrdreg $0xFFFFFFFF  }
0xa8: {  	s28 =	simm.s32 $_size_execute0_lowered;
	s4 =	sadd.s32 s4, s6;
	[dreg:$0x0] =	wrdreg $0x0  }
0xa9: {  	s6 =	sshll.u32 s28, $0x1;
	[dreg:$0x2] =	wrdreg s4  }
0xaa: {  	[dreg:$0x3] =	wrdreg s6  }
0xab: {  	[dreg:$0x4] =	wrdreg $0xC0  }
0xac: {  	_ =	task [dreg:s8], $0x5FFFF  }
0xad: {  	[dreg:$0x1] =	wrdreg $0xFFFFFFFF  }
0xae: {  	[dreg:$0x0] =	wrdreg $0x60  }
0xaf: {  	[dreg:$0x2] =	wrdreg s24  }
0xb0: {  	[dreg:$0x3] =	wrdreg s2  }
0xb1: {  	[dreg:$0x4] =	wrdreg s18  }
0xb2: {  	[dreg:$0x5] =	wrdreg $0x9  }
0xb3: {  	_ =	task.clear_ibuf [dreg:s8], $0x6FFFF;
	_ =	strace $0x90000046  }
0xb4: {  	s29 =	simm.s32 $0x9;
	_ =	strace $0x80000048  }
0xb5: {  	_ =	swait.ge [sflag:s29], $0x1  }
0xb6: {  	[sflag:s29] =	ssyncadd.s32 $0xFFFFFFFF  }
0xb7: {  	_ =	strace $0x90000048  }
0xb8: {  	_ =	sfence  }
0xb9: {  	s30 =	sld [smem:$0x0];
	_ =	sdelay $0x2  }
0xba: {  	s31 =	sshll.u32 s1, $0xD;
	s1 =	sshrl.u32 s1, $0x2  }
0xbb: {  	s3 =	sand.u32 $0x4000, s31;
	s1 =	sadd.s32 s1, s30  }
0xbc: {  	s0 =	sor.u32 s3, s0;
	s1 =	sshll.u32 s1, $0x11  }
0xbd: {  	s0 =	sor.u32 s1, s0  }
0xbe: {  	s0 =	sadd.s32 $0x8F2B, s0  }
0xbf: {  	[sflag:s0] =	ssyncadd.remote.s32 $0x1  }
0xc0: {  	_ =	sfence.sel $0xFFFF  }
0xc1: {  	[dreg:$0x0] =	wrdreg $0xFFFFFFFF;
	(pc) =	sbr.abs _section_cstart, $3  }
0xc2: {  	[dreg:$0x1] =	wrdreg $0xFFFFFFFF  }
0xc3: {  	_ =	task.clear_ibuf [dreg:s8], $0x2FFFF;
	_ =	strace $0x9FFFFFFF  }
0xc4: {  	(tm) =	ssettm $0x7FFFFFFF  }
0xc5: {  	_ =	shalt  }
tec
execute0_lowered:
.L_overlay_start_1:
0x0: {  	(tag) =	ssettag $0x1  }
0x1: {  	s0 =	srdreg.scid  }
0x2: {  	s1 =	rddreg [dreg:$0x0];
	s3 =	stileid.u32;
	s0 =	sand.u32 $0x1, s0  }
0x3: {  	s2 =	rddreg [dreg:$0x1];
	s3 =	sshll.u32 s3, $0xA;
	s4 =	sshll.u32 s0, $0x9  }
0x4: {  	s5 =	rddreg [dreg:$0x2];
	s4 =	sor.u32 s4, s3  }
0x5: {  	s3 =	simm.s32 $0x0;
	s6 =	sshrl.u32 s4, $0x3;
	s4 =	sshll.u32 s4, $0x7  }
0x6: {  	[smem:$0x7FF] =	sst s3;
	s1 =	sadd.s32 s6, s1;
	s8 =	sadd.s32 s5, s4  }
0x7: {  	_ =	strace $0x80000047;
	s1 =	sadd.s32 $0x400, s1;
	[dreg:$0x14] =	wrdreg s8  }
0x8: {  	s15 =	sadd.s32 $0x1000, s8;
	[dreg:$0x4] =	wrdreg s1  }
0x9: {  	s16 =	sadd.s32 $0x2000, s8;
	[dreg:$0x5] =	wrdreg s15  }
0xa: {  	s17 =	sadd.s32 $0x3000, s8;
	[dreg:$0x6] =	wrdreg s16  }
0xb: {  	s18 =	sadd.s32 $0x4000, s8;
	[dreg:$0x7] =	wrdreg s17  }
0xc: {  	s19 =	sadd.s32 $0x5000, s8;
	[dreg:$0x8] =	wrdreg s18  }
0xd: {  	s20 =	sadd.s32 $0x6000, s8;
	[dreg:$0x9] =	wrdreg s19  }
0xe: {  	s21 =	sadd.s32 $0x7000, s8;
	[dreg:$0xa] =	wrdreg s20  }
0xf: {  	s22 =	sadd.s32 $0x8000, s8;
	[dreg:$0xb] =	wrdreg s21  }
0x10: {  	s23 =	sadd.s32 $0x9000, s8;
	[dreg:$0xc] =	wrdreg s22  }
0x11: {  	s24 =	sadd.s32 $0xA000, s8;
	[dreg:$0xd] =	wrdreg s23  }
0x12: {  	s10 =	simm.s32 $0x200;
	s26 =	sadd.s32 $0xB000, s8;
	[dreg:$0xe] =	wrdreg s24  }
0x13: {  	s7 =	sadd.s32 $0x300, s2;
	s28 =	sadd.s32 $0xC000, s8;
	[dreg:$0xf] =	wrdreg s26  }
0x14: {  	s0 =	ssub.s32 $0x2, s0;
	s29 =	sadd.s32 $0xD000, s8;
	[dreg:$0x10] =	wrdreg s28  }
0x15: {  	s25 =	sshrl.u32 s0, $0x1;
	s30 =	sadd.s32 $0xE000, s8;
	[dreg:$0x11] =	wrdreg s29  }
0x16: {  	s0 =	ssub.s32 s0, s25;
	s31 =	sadd.s32 $0xF000, s8;
	[dreg:$0x12] =	wrdreg s30  }
0x17: {  	v2 =	vlaneseq.u32;
	s5 =	sadd.s32 $0x100, s2;
	s6 =	sadd.s32 $0x200, s2;
	[dreg:$0x13] =	wrdreg s31  }
0x18: {  	vm0 =	vmmov $0xffff;
	v1 =	vshrl.u32 v2, $0x3;
	s24 =	smax.u32 s0, $0x1;
	s26 =	simm.s32 $0x8200;
	s18 =	simm.s32 $0x1  }
0x19: {  	v0 =	vand.u32 $0x7, v2;
	v2 =	vor.u32 $0x8, v2;
	v1 =	vmul.u32 $0x8, v1;
	s19 =	simm.s32 $0x3;
	s20 =	simm.s32 $0x2;
	s21 =	simm.s32 $0x4  }
.LBB2_1:
0x1a: {  	s22 =	rddreg [dreg:$0x4];
	s0 =	simm.s32 $0x5  }
0x1b: {  	[tilespmem:s3], [sflag:$0x5] =	stream.linear.gather [hbm4b:s22+s3], $0x200, $0x38;
	[tilespmem:$0x10200] =	vst v63  }
0x1c: {  	_ =	swait.ge [sflag:s0], $0x200  }
0x1d: {  	[sflag:s0] =	ssyncset.done $0x0  }
0x1e: {  	[sflag:s0] =	ssyncadd.s32 $0xFFFFFE00  }
0x1f: {  	v3 =	vld [tilespmem:$0x0];
	_ =	sdelay $0x4  }
0x20: {  	v4 =	vshll.u32 v3, $0x3  }
0x21: {  	v3 =	vand.u32 $0x7, v3;
	v4 =	vand.u32 $0xFFFFFFC0, v4  }
0x22: {  	v3 =	vor.u32 v3, v4  }
0x23: {  	v4 =	vperm.xlane v3, v0;
	_ =	sdelay $0x1  }
0x24: {  	v4 =	vadd.s32 v1, v4;
	_ =	sdelay $0x4  }
0x25: {  	[tilespmem:s10], [sflag:$0x1] =	stream.indirect_vreg.gather [hbm4b:s2+s3], $0x80, v4, vm0, $0xb8;
	[tilespmem:$0x10200] =	vst v63  }
0x26: {  	s0 =	simm.s32 $0xA00;
	v3 =	vperm.xlane v3, v2  }
0x27: {  	[tilespmem:s0], [sflag:$0x1] =	stream.indirect_vreg.gather [hbm4b:s5+s3], $0x80, v4, vm0, $0xb8;
	[tilespmem:$0x10200] =	vst v63  }
0x28: {  	s1 =	simm.s32 $0x1200;
	v3 =	vadd.s32 v1, v3  }
0x29: {  	[tilespmem:s1], [sflag:$0x1] =	stream.indirect_vreg.gather [hbm4b:s6+s3], $0x80, v4, vm0, $0xb8;
	[tilespmem:$0x10200] =	vst v63  }
0x2a: {  	s4 =	simm.s32 $0x1A00  }
0x2b: {  	[tilespmem:s4], [sflag:$0x1] =	stream.indirect_vreg.gather [hbm4b:s7+s3], $0x80, v4, vm0, $0xb8;
	[tilespmem:$0x10200] =	vst v63  }
0x2c: {  	s8 =	simm.s32 $0x2200  }
0x2d: {  	[tilespmem:s8], [sflag:$0x1] =	stream.indirect_vreg.gather [hbm4b:s2+s3], $0x80, v3, vm0, $0xb8;
	[tilespmem:$0x10200] =	vst v63  }
0x2e: {  	s9 =	simm.s32 $0x2A00  }
0x2f: {  	[tilespmem:s9], [sflag:$0x1] =	stream.indirect_vreg.gather [hbm4b:s5+s3], $0x80, v3, vm0, $0xb8;
	[tilespmem:$0x10200] =	vst v63  }
0x30: {  	s11 =	simm.s32 $0x3200  }
0x31: {  	[tilespmem:s11], [sflag:$0x1] =	stream.indirect_vreg.gather [hbm4b:s6+s3], $0x80, v3, vm0, $0xb8;
	[tilespmem:$0x10200] =	vst v63  }
0x32: {  	s12 =	simm.s32 $0x3A00  }
0x33: {  	[tilespmem:s12], [sflag:$0x1] =	stream.indirect_vreg.gather [hbm4b:s7+s3], $0x80, v3, vm0, $0xb8;
	[tilespmem:$0x10200] =	vst v63  }
0x34: {  	v3 =	vld [tilespmem:$0x10];
	_ =	sdelay $0x4  }
0x35: {  	v33 =	vshll.u32 v3, $0x3  }
0x36: {  	v3 =	vand.u32 $0x7, v3;
	v4 =	vand.u32 $0xFFFFFFC0, v33  }
0x37: {  	v3 =	vor.u32 v3, v4  }
0x38: {  	v4 =	vperm.xlane v3, v0;
	_ =	sdelay $0x1  }
0x39: {  	v4 =	vadd.s32 v1, v4;
	_ =	sdelay $0x3  }
0x3a: {  	s13 =	simm.s32 $0x4200  }
0x3b: {  	[tilespmem:s13], [sflag:$0x1] =	stream.indirect_vreg.gather [hbm4b:s2+s3], $0x80, v4, vm0, $0xb8;
	[tilespmem:$0x10200] =	vst v63  }
0x3c: {  	s14 =	simm.s32 $0x4A00;
	v3 =	vperm.xlane v3, v2  }
0x3d: {  	[tilespmem:s14], [sflag:$0x1] =	stream.indirect_vreg.gather [hbm4b:s5+s3], $0x80, v4, vm0, $0xb8;
	[tilespmem:$0x10200] =	vst v63  }
0x3e: {  	s17 =	simm.s32 $0x5200;
	v3 =	vadd.s32 v1, v3  }
0x3f: {  	[tilespmem:s17], [sflag:$0x1] =	stream.indirect_vreg.gather [hbm4b:s6+s3], $0x80, v4, vm0, $0xb8;
	[tilespmem:$0x10200] =	vst v63  }
0x40: {  	s22 =	simm.s32 $0x5A00  }
0x41: {  	[tilespmem:s22], [sflag:$0x1] =	stream.indirect_vreg.gather [hbm4b:s7+s3], $0x80, v4, vm0, $0xb8;
	[tilespmem:$0x10200] =	vst v63  }
0x42: {  	s23 =	simm.s32 $0x6200  }
0x43: {  	[tilespmem:s23], [sflag:$0x1] =	stream.indirect_vreg.gather [hbm4b:s2+s3], $0x80, v3, vm0, $0xb8;
	[tilespmem:$0x10200] =	vst v63  }
0x44: {  	s25 =	simm.s32 $0x6A00  }
0x45: {  	[tilespmem:s25], [sflag:$0x1] =	stream.indirect_vreg.gather [hbm4b:s5+s3], $0x80, v3, vm0, $0xb8;
	[tilespmem:$0x10200] =	vst v63  }
0x46: {  	s28 =	simm.s32 $0x7200  }
0x47: {  	[tilespmem:s28], [sflag:$0x1] =	stream.indirect_vreg.gather [hbm4b:s6+s3], $0x80, v3, vm0, $0xb8;
	[tilespmem:$0x10200] =	vst v63  }
0x48: {  	s29 =	simm.s32 $0x7A00  }
0x49: {  	[tilespmem:s29], [sflag:$0x1] =	stream.indirect_vreg.gather [hbm4b:s7+s3], $0x80, v3, vm0, $0xb8;
	[tilespmem:$0x10200] =	vst v63  }
0x4a: {  	v3 =	vld [tilespmem:$0x20];
	_ =	sdelay $0x4  }
0x4b: {  	v34 =	vshll.u32 v3, $0x3  }
0x4c: {  	v3 =	vand.u32 $0x7, v3;
	v4 =	vand.u32 $0xFFFFFFC0, v34  }
0x4d: {  	v3 =	vor.u32 v3, v4  }
0x4e: {  	v4 =	vperm.xlane v3, v0;
	_ =	sdelay $0x1  }
0x4f: {  	v4 =	vadd.s32 v1, v4;
	_ =	sdelay $0x4  }
0x50: {  	[tilespmem:s26], [sflag:$0x2] =	stream.indirect_vreg.gather [hbm4b:s2+s3], $0x80, v4, vm0, $0xb8;
	[tilespmem:$0x10200] =	vst v63  }
0x51: {  	s31 =	simm.s32 $0x8A00;
	v3 =	vperm.xlane v3, v2  }
0x52: {  	[tilespmem:s31], [sflag:$0x2] =	stream.indirect_vreg.gather [hbm4b:s5+s3], $0x80, v4, vm0, $0xb8;
	[tilespmem:$0x10200] =	vst v63  }
0x53: {  	s11 =	simm.s32 $0x9200;
	v3 =	vadd.s32 v1, v3  }
0x54: {  	[tilespmem:s11], [sflag:$0x2] =	stream.indirect_vreg.gather [hbm4b:s6+s3], $0x80, v4, vm0, $0xb8;
	[tilespmem:$0x10200] =	vst v63  }
0x55: {  	s12 =	simm.s32 $0x9A00  }
0x56: {  	[tilespmem:s12], [sflag:$0x2] =	stream.indirect_vreg.gather [hbm4b:s7+s3], $0x80, v4, vm0, $0xb8;
	[tilespmem:$0x10200] =	vst v63  }
0x57: {  	s13 =	simm.s32 $0xA200  }
0x58: {  	[tilespmem:s13], [sflag:$0x2] =	stream.indirect_vreg.gather [hbm4b:s2+s3], $0x80, v3, vm0, $0xb8;
	[tilespmem:$0x10200] =	vst v63  }
0x59: {  	s14 =	simm.s32 $0xAA00  }
0x5a: {  	[tilespmem:s14], [sflag:$0x2] =	stream.indirect_vreg.gather [hbm4b:s5+s3], $0x80, v3, vm0, $0xb8;
	[tilespmem:$0x10200] =	vst v63  }
0x5b: {  	s17 =	simm.s32 $0xB200  }
0x5c: {  	[tilespmem:s17], [sflag:$0x2] =	stream.indirect_vreg.gather [hbm4b:s6+s3], $0x80, v3, vm0, $0xb8;
	[tilespmem:$0x10200] =	vst v63  }
0x5d: {  	s23 =	simm.s32 $0xBA00  }
0x5e: {  	[tilespmem:s23], [sflag:$0x2] =	stream.indirect_vreg.gather [hbm4b:s7+s3], $0x80, v3, vm0, $0xb8;
	[tilespmem:$0x10200] =	vst v63  }
0x5f: {  	v3 =	vld [tilespmem:$0x30];
	_ =	sdelay $0x4  }
0x60: {  	v35 =	vshll.u32 v3, $0x3  }
0x61: {  	v3 =	vand.u32 $0x7, v3;
	v4 =	vand.u32 $0xFFFFFFC0, v35  }
0x62: {  	v3 =	vor.u32 v3, v4  }
0x63: {  	v4 =	vperm.xlane v3, v0;
	_ =	sdelay $0x1  }
0x64: {  	v4 =	vadd.s32 v1, v4;
	_ =	sdelay $0x3  }
0x65: {  	s25 =	simm.s32 $0xC200  }
0x66: {  	[tilespmem:s25], [sflag:$0x2] =	stream.indirect_vreg.gather [hbm4b:s2+s3], $0x80, v4, vm0, $0xb8;
	[tilespmem:$0x10200] =	vst v63  }
0x67: {  	s28 =	simm.s32 $0xCA00;
	v3 =	vperm.xlane v3, v2  }
0x68: {  	[tilespmem:s28], [sflag:$0x2] =	stream.indirect_vreg.gather [hbm4b:s5+s3], $0x80, v4, vm0, $0xb8;
	[tilespmem:$0x10200] =	vst v63  }
0x69: {  	s29 =	simm.s32 $0xD200;
	v3 =	vadd.s32 v1, v3  }
0x6a: {  	[tilespmem:s29], [sflag:$0x2] =	stream.indirect_vreg.gather [hbm4b:s6+s3], $0x80, v4, vm0, $0xb8;
	[tilespmem:$0x10200] =	vst v63  }
0x6b: {  	s31 =	simm.s32 $0xDA00  }
0x6c: {  	[tilespmem:s31], [sflag:$0x2] =	stream.indirect_vreg.gather [hbm4b:s7+s3], $0x80, v4, vm0, $0xb8;
	[tilespmem:$0x10200] =	vst v63  }
0x6d: {  	s0 =	simm.s32 $0xE200  }
0x6e: {  	[tilespmem:s0], [sflag:$0x2] =	stream.indirect_vreg.gather [hbm4b:s2+s3], $0x80, v3, vm0, $0xb8;
	[tilespmem:$0x10200] =	vst v63  }
0x6f: {  	s11 =	simm.s32 $0xEA00  }
0x70: {  	[tilespmem:s11], [sflag:$0x2] =	stream.indirect_vreg.gather [hbm4b:s5+s3], $0x80, v3, vm0, $0xb8;
	[tilespmem:$0x10200] =	vst v63  }
0x71: {  	s17 =	simm.s32 $0xF200  }
0x72: {  	[tilespmem:s17], [sflag:$0x2] =	stream.indirect_vreg.gather [hbm4b:s6+s3], $0x80, v3, vm0, $0xb8;
	[tilespmem:$0x10200] =	vst v63  }
0x73: {  	s23 =	simm.s32 $0xFA00  }
0x74: {  	[tilespmem:s23], [sflag:$0x2] =	stream.indirect_vreg.gather [hbm4b:s7+s3], $0x80, v3, vm0, $0xb8;
	[tilespmem:$0x10200] =	vst v63  }
0x75: {  	_ =	swait.ge [sflag:s18], $0x8000  }
0x76: {  	[sflag:s18] =	ssyncset.done $0x0  }
0x77: {  	s0 =	rddreg [dreg:$0x14];
	[sflag:s18] =	ssyncadd.s32 $0xFFFF8000  }
0x78: {  	[hbm4b:s0+s3] =	stream.linear.scatter [tilespmem:s10], [sflag:$0x3], $0x8000, $0x38;
	[tilespmem:$0x10200] =	vst v63  }
0x79: {  	_ =	swait.ge [sflag:s19], $0x8000  }
0x7a: {  	[sflag:s19] =	ssyncset.done $0x0  }
0x7b: {  	[sflag:s19] =	ssyncadd.s32 $0xFFFF8000  }
0x7c: {  	v3 =	vld [tilespmem:$0x40];
	_ =	sdelay $0x4  }
0x7d: {  	v36 =	vshll.u32 v3, $0x3  }
0x7e: {  	v3 =	vand.u32 $0x7, v3;
	v4 =	vand.u32 $0xFFFFFFC0, v36  }
0x7f: {  	v3 =	vor.u32 v3, v4  }
0x80: {  	v4 =	vperm.xlane v3, v0;
	_ =	sdelay $0x1  }
0x81: {  	v4 =	vadd.s32 v1, v4;
	_ =	sdelay $0x4  }
0x82: {  	[tilespmem:s10], [sflag:$0x1] =	stream.indirect_vreg.gather [hbm4b:s2+s3], $0x80, v4, vm0, $0xb8;
	[tilespmem:$0x10200] =	vst v63  }
0x83: {  	s15 =	simm.s32 $0xA00;
	v3 =	vperm.xlane v3, v2  }
0x84: {  	[tilespmem:s15], [sflag:$0x1] =	stream.indirect_vreg.gather [hbm4b:s5+s3], $0x80, v4, vm0, $0xb8;
	[tilespmem:$0x10200] =	vst v63  }
0x85: {  	s1 =	simm.s32 $0x1200;
	v3 =	vadd.s32 v1, v3  }
0x86: {  	[tilespmem:s1], [sflag:$0x1] =	stream.indirect_vreg.gather [hbm4b:s6+s3], $0x80, v4, vm0, $0xb8;
	[tilespmem:$0x10200] =	vst v63  }
0x87: {  	s4 =	simm.s32 $0x1A00  }
0x88: {  	[tilespmem:s4], [sflag:$0x1] =	stream.indirect_vreg.gather [hbm4b:s7+s3], $0x80, v4, vm0, $0xb8;
	[tilespmem:$0x10200] =	vst v63  }
0x89: {  	s8 =	simm.s32 $0x2200  }
0x8a: {  	[tilespmem:s8], [sflag:$0x1] =	stream.indirect_vreg.gather [hbm4b:s2+s3], $0x80, v3, vm0, $0xb8;
	[tilespmem:$0x10200] =	vst v63  }
0x8b: {  	s30 =	simm.s32 $0x2A00  }
0x8c: {  	[tilespmem:s30], [sflag:$0x1] =	stream.indirect_vreg.gather [hbm4b:s5+s3], $0x80, v3, vm0, $0xb8;
	[tilespmem:$0x10200] =	vst v63  }
0x8d: {  	s15 =	simm.s32 $0x3200  }
0x8e: {  	[tilespmem:s15], [sflag:$0x1] =	stream.indirect_vreg.gather [hbm4b:s6+s3], $0x80, v3, vm0, $0xb8;
	[tilespmem:$0x10200] =	vst v63  }
0x8f: {  	s16 =	simm.s32 $0x3A00  }
0x90: {  	[tilespmem:s16], [sflag:$0x1] =	stream.indirect_vreg.gather [hbm4b:s7+s3], $0x80, v3, vm0, $0xb8;
	[tilespmem:$0x10200] =	vst v63  }
0x91: {  	v3 =	vld [tilespmem:$0x50];
	_ =	sdelay $0x4  }
0x92: {  	v37 =	vshll.u32 v3, $0x3  }
0x93: {  	v3 =	vand.u32 $0x7, v3;
	v4 =	vand.u32 $0xFFFFFFC0, v37  }
0x94: {  	v3 =	vor.u32 v3, v4  }
0x95: {  	v4 =	vperm.xlane v3, v0;
	_ =	sdelay $0x1  }
0x96: {  	v4 =	vadd.s32 v1, v4;
	_ =	sdelay $0x3  }
0x97: {  	s16 =	simm.s32 $0x4200  }
0x98: {  	[tilespmem:s16], [sflag:$0x1] =	stream.indirect_vreg.gather [hbm4b:s2+s3], $0x80, v4, vm0, $0xb8;
	[tilespmem:$0x10200] =	vst v63  }
0x99: {  	s17 =	simm.s32 $0x4A00;
	v3 =	vperm.xlane v3, v2  }
0x9a: {  	[tilespmem:s17], [sflag:$0x1] =	stream.indirect_vreg.gather [hbm4b:s5+s3], $0x80, v4, vm0, $0xb8;
	[tilespmem:$0x10200] =	vst v63  }
0x9b: {  	s9 =	simm.s32 $0x5200;
	v3 =	vadd.s32 v1, v3  }
0x9c: {  	[tilespmem:s9], [sflag:$0x1] =	stream.indirect_vreg.gather [hbm4b:s6+s3], $0x80, v4, vm0, $0xb8;
	[tilespmem:$0x10200] =	vst v63  }
0x9d: {  	s30 =	simm.s32 $0x5A00  }
0x9e: {  	[tilespmem:s30], [sflag:$0x1] =	stream.indirect_vreg.gather [hbm4b:s7+s3], $0x80, v4, vm0, $0xb8;
	[tilespmem:$0x10200] =	vst v63  }
0x9f: {  	s4 =	simm.s32 $0x6200  }
0xa0: {  	[tilespmem:s4], [sflag:$0x1] =	stream.indirect_vreg.gather [hbm4b:s2+s3], $0x80, v3, vm0, $0xb8;
	[tilespmem:$0x10200] =	vst v63  }
0xa1: {  	s8 =	simm.s32 $0x6A00  }
0xa2: {  	[tilespmem:s8], [sflag:$0x1] =	stream.indirect_vreg.gather [hbm4b:s5+s3], $0x80, v3, vm0, $0xb8;
	[tilespmem:$0x10200] =	vst v63  }
0xa3: {  	s9 =	simm.s32 $0x7200  }
0xa4: {  	[tilespmem:s9], [sflag:$0x1] =	stream.indirect_vreg.gather [hbm4b:s6+s3], $0x80, v3, vm0, $0xb8;
	[tilespmem:$0x10200] =	vst v63  }
0xa5: {  	s23 =	simm.s32 $0x7A00  }
0xa6: {  	[tilespmem:s23], [sflag:$0x1] =	stream.indirect_vreg.gather [hbm4b:s7+s3], $0x80, v3, vm0, $0xb8;
	[tilespmem:$0x10200] =	vst v63  }
0xa7: {  	_ =	swait.ge [sflag:s20], $0x8000  }
0xa8: {  	[sflag:s20] =	ssyncset.done $0x0  }
0xa9: {  	s1 =	rddreg [dreg:$0x5];
	[sflag:s20] =	ssyncadd.s32 $0xFFFF8000  }
0xaa: {  	[hbm4b:s1+s3] =	stream.linear.scatter [tilespmem:s26], [sflag:$0x4], $0x8000, $0x38;
	[tilespmem:$0x10200] =	vst v63  }
0xab: {  	_ =	swait.ge [sflag:s21], $0x8000  }
0xac: {  	[sflag:s21] =	ssyncset.done $0x0  }
0xad: {  	[sflag:s21] =	ssyncadd.s32 $0xFFFF8000  }
0xae: {  	v3 =	vld [tilespmem:$0x60];
	_ =	sdelay $0x4  }
0xaf: {  	v38 =	vshll.u32 v3, $0x3  }
0xb0: {  	v3 =	vand.u32 $0x7, v3;
	v4 =	vand.u32 $0xFFFFFFC0, v38  }
0xb1: {  	v3 =	vor.u32 v3, v4  }
0xb2: {  	v4 =	vperm.xlane v3, v0;
	_ =	sdelay $0x1  }
0xb3: {  	v4 =	vadd.s32 v1, v4;
	_ =	sdelay $0x4  }
0xb4: {  	[tilespmem:s26], [sflag:$0x2] =	stream.indirect_vreg.gather [hbm4b:s2+s3], $0x80, v4, vm0, $0xb8;
	[tilespmem:$0x10200] =	vst v63  }
0xb5: {  	s1 =	simm.s32 $0x8A00;
	v3 =	vperm.xlane v3, v2  }
0xb6: {  	[tilespmem:s1], [sflag:$0x2] =	stream.indirect_vreg.gather [hbm4b:s5+s3], $0x80, v4, vm0, $0xb8;
	[tilespmem:$0x10200] =	vst v63  }
0xb7: {  	s0 =	simm.s32 $0x9200;
	v3 =	vadd.s32 v1, v3  }
0xb8: {  	[tilespmem:s0], [sflag:$0x2] =	stream.indirect_vreg.gather [hbm4b:s6+s3], $0x80, v4, vm0, $0xb8;
	[tilespmem:$0x10200] =	vst v63  }
0xb9: {  	s22 =	simm.s32 $0x9A00  }
0xba: {  	[tilespmem:s22], [sflag:$0x2] =	stream.indirect_vreg.gather [hbm4b:s7+s3], $0x80, v4, vm0, $0xb8;
	[tilespmem:$0x10200] =	vst v63  }
0xbb: {  	s22 =	simm.s32 $0xA200  }
0xbc: {  	[tilespmem:s22], [sflag:$0x2] =	stream.indirect_vreg.gather [hbm4b:s2+s3], $0x80, v3, vm0, $0xb8;
	[tilespmem:$0x10200] =	vst v63  }
0xbd: {  	s22 =	simm.s32 $0xAA00  }
0xbe: {  	[tilespmem:s22], [sflag:$0x2] =	stream.indirect_vreg.gather [hbm4b:s5+s3], $0x80, v3, vm0, $0xb8;
	[tilespmem:$0x10200] =	vst v63  }
0xbf: {  	s22 =	simm.s32 $0xB200  }
0xc0: {  	[tilespmem:s22], [sflag:$0x2] =	stream.indirect_vreg.gather [hbm4b:s6+s3], $0x80, v3, vm0, $0xb8;
	[tilespmem:$0x10200] =	vst v63  }
0xc1: {  	s12 =	simm.s32 $0xBA00  }
0xc2: {  	[tilespmem:s12], [sflag:$0x2] =	stream.indirect_vreg.gather [hbm4b:s7+s3], $0x80, v3, vm0, $0xb8;
	[tilespmem:$0x10200] =	vst v63  }
0xc3: {  	v3 =	vld [tilespmem:$0x70];
	_ =	sdelay $0x4  }
0xc4: {  	v39 =	vshll.u32 v3, $0x3  }
0xc5: {  	v3 =	vand.u32 $0x7, v3;
	v4 =	vand.u32 $0xFFFFFFC0, v39  }
0xc6: {  	v3 =	vor.u32 v3, v4  }
0xc7: {  	v4 =	vperm.xlane v3, v0;
	_ =	sdelay $0x1  }
0xc8: {  	v4 =	vadd.s32 v1, v4;
	_ =	sdelay $0x3  }
0xc9: {  	s13 =	simm.s32 $0xC200  }
0xca: {  	[tilespmem:s13], [sflag:$0x2] =	stream.indirect_vreg.gather [hbm4b:s2+s3], $0x80, v4, vm0, $0xb8;
	[tilespmem:$0x10200] =	vst v63  }
0xcb: {  	s14 =	simm.s32 $0xCA00;
	v3 =	vperm.xlane v3, v2  }
0xcc: {  	[tilespmem:s14], [sflag:$0x2] =	stream.indirect_vreg.gather [hbm4b:s5+s3], $0x80, v4, vm0, $0xb8;
	[tilespmem:$0x10200] =	vst v63  }
0xcd: {  	s22 =	simm.s32 $0xD200;
	v3 =	vadd.s32 v1, v3  }
0xce: {  	[tilespmem:s22], [sflag:$0x2] =	stream.indirect_vreg.gather [hbm4b:s6+s3], $0x80, v4, vm0, $0xb8;
	[tilespmem:$0x10200] =	vst v63  }
0xcf: {  	s25 =	simm.s32 $0xDA00  }
0xd0: {  	[tilespmem:s25], [sflag:$0x2] =	stream.indirect_vreg.gather [hbm4b:s7+s3], $0x80, v4, vm0, $0xb8;
	[tilespmem:$0x10200] =	vst v63  }
0xd1: {  	s28 =	simm.s32 $0xE200  }
0xd2: {  	[tilespmem:s28], [sflag:$0x2] =	stream.indirect_vreg.gather [hbm4b:s2+s3], $0x80, v3, vm0, $0xb8;
	[tilespmem:$0x10200] =	vst v63  }
0xd3: {  	s29 =	simm.s32 $0xEA00  }
0xd4: {  	[tilespmem:s29], [sflag:$0x2] =	stream.indirect_vreg.gather [hbm4b:s5+s3], $0x80, v3, vm0, $0xb8;
	[tilespmem:$0x10200] =	vst v63  }
0xd5: {  	s31 =	simm.s32 $0xF200  }
0xd6: {  	[tilespmem:s31], [sflag:$0x2] =	stream.indirect_vreg.gather [hbm4b:s6+s3], $0x80, v3, vm0, $0xb8;
	[tilespmem:$0x10200] =	vst v63  }
0xd7: {  	s11 =	simm.s32 $0xFA00  }
0xd8: {  	[tilespmem:s11], [sflag:$0x2] =	stream.indirect_vreg.gather [hbm4b:s7+s3], $0x80, v3, vm0, $0xb8;
	[tilespmem:$0x10200] =	vst v63  }
0xd9: {  	_ =	swait.ge [sflag:s18], $0x8000  }
0xda: {  	[sflag:s18] =	ssyncset.done $0x0  }
0xdb: {  	s29 =	rddreg [dreg:$0x6];
	[sflag:s18] =	ssyncadd.s32 $0xFFFF8000  }
0xdc: {  	[hbm4b:s29+s3] =	stream.linear.scatter [tilespmem:s10], [sflag:$0x3], $0x8000, $0x38;
	[tilespmem:$0x10200] =	vst v63  }
0xdd: {  	_ =	swait.ge [sflag:s19], $0x8000  }
0xde: {  	[sflag:s19] =	ssyncset.done $0x0  }
0xdf: {  	[sflag:s19] =	ssyncadd.s32 $0xFFFF8000  }
0xe0: {  	v3 =	vld [tilespmem:$0x80];
	_ =	sdelay $0x4  }
0xe1: {  	v40 =	vshll.u32 v3, $0x3  }
0xe2: {  	v3 =	vand.u32 $0x7, v3;
	v4 =	vand.u32 $0xFFFFFFC0, v40  }
0xe3: {  	v3 =	vor.u32 v3, v4  }
0xe4: {  	v4 =	vperm.xlane v3, v0;
	_ =	sdelay $0x1  }
0xe5: {  	v4 =	vadd.s32 v1, v4;
	_ =	sdelay $0x4  }
0xe6: {  	[tilespmem:s10], [sflag:$0x1] =	stream.indirect_vreg.gather [hbm4b:s2+s3], $0x80, v4, vm0, $0xb8;
	[tilespmem:$0x10200] =	vst v63  }
0xe7: {  	s31 =	simm.s32 $0xA00;
	v3 =	vperm.xlane v3, v2  }
0xe8: {  	[tilespmem:s31], [sflag:$0x1] =	stream.indirect_vreg.gather [hbm4b:s5+s3], $0x80, v4, vm0, $0xb8;
	[tilespmem:$0x10200] =	vst v63  }
0xe9: {  	s29 =	simm.s32 $0x1200;
	v3 =	vadd.s32 v1, v3  }
0xea: {  	[tilespmem:s29], [sflag:$0x1] =	stream.indirect_vreg.gather [hbm4b:s6+s3], $0x80, v4, vm0, $0xb8;
	[tilespmem:$0x10200] =	vst v63  }
0xeb: {  	s31 =	simm.s32 $0x1A00  }
0xec: {  	[tilespmem:s31], [sflag:$0x1] =	stream.indirect_vreg.gather [hbm4b:s7+s3], $0x80, v4, vm0, $0xb8;
	[tilespmem:$0x10200] =	vst v63  }
0xed: {  	s29 =	simm.s32 $0x2200  }
0xee: {  	[tilespmem:s29], [sflag:$0x1] =	stream.indirect_vreg.gather [hbm4b:s2+s3], $0x80, v3, vm0, $0xb8;
	[tilespmem:$0x10200] =	vst v63  }
0xef: {  	s31 =	simm.s32 $0x2A00  }
0xf0: {  	[tilespmem:s31], [sflag:$0x1] =	stream.indirect_vreg.gather [hbm4b:s5+s3], $0x80, v3, vm0, $0xb8;
	[tilespmem:$0x10200] =	vst v63  }
0xf1: {  	_ = 	snop  }
0xf2: {  	[tilespmem:s15], [sflag:$0x1] =	stream.indirect_vreg.gather [hbm4b:s6+s3], $0x80, v3, vm0, $0xb8;
	[tilespmem:$0x10200] =	vst v63  }
0xf3: {  	s29 =	simm.s32 $0x3A00  }
0xf4: {  	[tilespmem:s29], [sflag:$0x1] =	stream.indirect_vreg.gather [hbm4b:s7+s3], $0x80, v3, vm0, $0xb8;
	[tilespmem:$0x10200] =	vst v63  }
0xf5: {  	v3 =	vld [tilespmem:$0x90];
	_ =	sdelay $0x4  }
0xf6: {  	v41 =	vshll.u32 v3, $0x3  }
0xf7: {  	v3 =	vand.u32 $0x7, v3;
	v4 =	vand.u32 $0xFFFFFFC0, v41  }
0xf8: {  	v3 =	vor.u32 v3, v4  }
0xf9: {  	v4 =	vperm.xlane v3, v0;
	_ =	sdelay $0x1  }
0xfa: {  	v4 =	vadd.s32 v1, v4;
	_ =	sdelay $0x4  }
0xfb: {  	[tilespmem:s16], [sflag:$0x1] =	stream.indirect_vreg.gather [hbm4b:s2+s3], $0x80, v4, vm0, $0xb8;
	[tilespmem:$0x10200] =	vst v63  }
0xfc: {  	v3 =	vperm.xlane v3, v2  }
0xfd: {  	[tilespmem:s17], [sflag:$0x1] =	stream.indirect_vreg.gather [hbm4b:s5+s3], $0x80, v4, vm0, $0xb8;
	[tilespmem:$0x10200] =	vst v63  }
0xfe: {  	s22 =	simm.s32 $0x5200;
	v3 =	vadd.s32 v1, v3  }
0xff: {  	[tilespmem:s22], [sflag:$0x1] =	stream.indirect_vreg.gather [hbm4b:s6+s3], $0x80, v4, vm0, $0xb8;
	[tilespmem:$0x10200] =	vst v63  }
0x100: {  	_ = 	snop  }
0x101: {  	[tilespmem:s30], [sflag:$0x1] =	stream.indirect_vreg.gather [hbm4b:s7+s3], $0x80, v4, vm0, $0xb8;
	[tilespmem:$0x10200] =	vst v63  }
0x102: {  	_ = 	snop  }
0x103: {  	[tilespmem:s4], [sflag:$0x1] =	stream.indirect_vreg.gather [hbm4b:s2+s3], $0x80, v3, vm0, $0xb8;
	[tilespmem:$0x10200] =	vst v63  }
0x104: {  	_ = 	snop  }
0x105: {  	[tilespmem:s8], [sflag:$0x1] =	stream.indirect_vreg.gather [hbm4b:s5+s3], $0x80, v3, vm0, $0xb8;
	[tilespmem:$0x10200] =	vst v63  }
0x106: {  	_ = 	snop  }
0x107: {  	[tilespmem:s9], [sflag:$0x1] =	stream.indirect_vreg.gather [hbm4b:s6+s3], $0x80, v3, vm0, $0xb8;
	[tilespmem:$0x10200] =	vst v63  }
0x108: {  	_ = 	snop  }
0x109: {  	[tilespmem:s23], [sflag:$0x1] =	stream.indirect_vreg.gather [hbm4b:s7+s3], $0x80, v3, vm0, $0xb8;
	[tilespmem:$0x10200] =	vst v63  }
0x10a: {  	_ =	swait.ge [sflag:s20], $0x8000  }
0x10b: {  	[sflag:s20] =	ssyncset.done $0x0  }
0x10c: {  	s23 =	rddreg [dreg:$0x7];
	[sflag:s20] =	ssyncadd.s32 $0xFFFF8000  }
0x10d: {  	[hbm4b:s23+s3] =	stream.linear.scatter [tilespmem:s26], [sflag:$0x4], $0x8000, $0x38;
	[tilespmem:$0x10200] =	vst v63  }
0x10e: {  	_ =	swait.ge [sflag:s21], $0x8000  }
0x10f: {  	[sflag:s21] =	ssyncset.done $0x0  }
0x110: {  	[sflag:s21] =	ssyncadd.s32 $0xFFFF8000  }
0x111: {  	v3 =	vld [tilespmem:$0xA0];
	_ =	sdelay $0x4  }
0x112: {  	v42 =	vshll.u32 v3, $0x3  }
0x113: {  	v3 =	vand.u32 $0x7, v3;
	v4 =	vand.u32 $0xFFFFFFC0, v42  }
0x114: {  	v3 =	vor.u32 v3, v4  }
0x115: {  	v4 =	vperm.xlane v3, v0;
	_ =	sdelay $0x1  }
0x116: {  	v4 =	vadd.s32 v1, v4;
	_ =	sdelay $0x4  }
0x117: {  	[tilespmem:s26], [sflag:$0x2] =	stream.indirect_vreg.gather [hbm4b:s2+s3], $0x80, v4, vm0, $0xb8;
	[tilespmem:$0x10200] =	vst v63  }
0x118: {  	v3 =	vperm.xlane v3, v2  }
0x119: {  	[tilespmem:s1], [sflag:$0x2] =	stream.indirect_vreg.gather [hbm4b:s5+s3], $0x80, v4, vm0, $0xb8;
	[tilespmem:$0x10200] =	vst v63  }
0x11a: {  	v3 =	vadd.s32 v1, v3  }
0x11b: {  	[tilespmem:s0], [sflag:$0x2] =	stream.indirect_vreg.gather [hbm4b:s6+s3], $0x80, v4, vm0, $0xb8;
	[tilespmem:$0x10200] =	vst v63  }
0x11c: {  	s29 =	simm.s32 $0x9A00  }
0x11d: {  	[tilespmem:s29], [sflag:$0x2] =	stream.indirect_vreg.gather [hbm4b:s7+s3], $0x80, v4, vm0, $0xb8;
	[tilespmem:$0x10200] =	vst v63  }
0x11e: {  	s22 =	simm.s32 $0xA200  }
0x11f: {  	[tilespmem:s22], [sflag:$0x2] =	stream.indirect_vreg.gather [hbm4b:s2+s3], $0x80, v3, vm0, $0xb8;
	[tilespmem:$0x10200] =	vst v63  }
0x120: {  	s23 =	simm.s32 $0xAA00  }
0x121: {  	[tilespmem:s23], [sflag:$0x2] =	stream.indirect_vreg.gather [hbm4b:s5+s3], $0x80, v3, vm0, $0xb8;
	[tilespmem:$0x10200] =	vst v63  }
0x122: {  	s29 =	simm.s32 $0xB200  }
0x123: {  	[tilespmem:s29], [sflag:$0x2] =	stream.indirect_vreg.gather [hbm4b:s6+s3], $0x80, v3, vm0, $0xb8;
	[tilespmem:$0x10200] =	vst v63  }
0x124: {  	s22 =	simm.s32 $0xBA00  }
0x125: {  	[tilespmem:s22], [sflag:$0x2] =	stream.indirect_vreg.gather [hbm4b:s7+s3], $0x80, v3, vm0, $0xb8;
	[tilespmem:$0x10200] =	vst v63  }
0x126: {  	v3 =	vld [tilespmem:$0xB0];
	_ =	sdelay $0x4  }
0x127: {  	v43 =	vshll.u32 v3, $0x3  }
0x128: {  	v3 =	vand.u32 $0x7, v3;
	v4 =	vand.u32 $0xFFFFFFC0, v43  }
0x129: {  	v3 =	vor.u32 v3, v4  }
0x12a: {  	v4 =	vperm.xlane v3, v0;
	_ =	sdelay $0x1  }
0x12b: {  	v4 =	vadd.s32 v1, v4;
	_ =	sdelay $0x3  }
0x12c: {  	s22 =	simm.s32 $0xC200  }
0x12d: {  	[tilespmem:s22], [sflag:$0x2] =	stream.indirect_vreg.gather [hbm4b:s2+s3], $0x80, v4, vm0, $0xb8;
	[tilespmem:$0x10200] =	vst v63  }
0x12e: {  	v3 =	vperm.xlane v3, v2;
	s22 =	simm.s32 $0xCA00  }
0x12f: {  	[tilespmem:s22], [sflag:$0x2] =	stream.indirect_vreg.gather [hbm4b:s5+s3], $0x80, v4, vm0, $0xb8;
	[tilespmem:$0x10200] =	vst v63  }
0x130: {  	s12 =	simm.s32 $0xD200;
	v3 =	vadd.s32 v1, v3  }
0x131: {  	[tilespmem:s12], [sflag:$0x2] =	stream.indirect_vreg.gather [hbm4b:s6+s3], $0x80, v4, vm0, $0xb8;
	[tilespmem:$0x10200] =	vst v63  }
0x132: {  	s13 =	simm.s32 $0xDA00  }
0x133: {  	[tilespmem:s13], [sflag:$0x2] =	stream.indirect_vreg.gather [hbm4b:s7+s3], $0x80, v4, vm0, $0xb8;
	[tilespmem:$0x10200] =	vst v63  }
0x134: {  	s14 =	simm.s32 $0xE200  }
0x135: {  	[tilespmem:s14], [sflag:$0x2] =	stream.indirect_vreg.gather [hbm4b:s2+s3], $0x80, v3, vm0, $0xb8;
	[tilespmem:$0x10200] =	vst v63  }
0x136: {  	s25 =	simm.s32 $0xEA00  }
0x137: {  	[tilespmem:s25], [sflag:$0x2] =	stream.indirect_vreg.gather [hbm4b:s5+s3], $0x80, v3, vm0, $0xb8;
	[tilespmem:$0x10200] =	vst v63  }
0x138: {  	s28 =	simm.s32 $0xF200  }
0x139: {  	[tilespmem:s28], [sflag:$0x2] =	stream.indirect_vreg.gather [hbm4b:s6+s3], $0x80, v3, vm0, $0xb8;
	[tilespmem:$0x10200] =	vst v63  }
0x13a: {  	s11 =	simm.s32 $0xFA00  }
0x13b: {  	[tilespmem:s11], [sflag:$0x2] =	stream.indirect_vreg.gather [hbm4b:s7+s3], $0x80, v3, vm0, $0xb8;
	[tilespmem:$0x10200] =	vst v63  }
0x13c: {  	_ =	swait.ge [sflag:s18], $0x8000  }
0x13d: {  	[sflag:s18] =	ssyncset.done $0x0  }
0x13e: {  	s22 =	rddreg [dreg:$0x8];
	[sflag:s18] =	ssyncadd.s32 $0xFFFF8000  }
0x13f: {  	[hbm4b:s22+s3] =	stream.linear.scatter [tilespmem:s10], [sflag:$0x3], $0x8000, $0x38;
	[tilespmem:$0x10200] =	vst v63  }
0x140: {  	_ =	swait.ge [sflag:s19], $0x8000  }
0x141: {  	[sflag:s19] =	ssyncset.done $0x0  }
0x142: {  	[sflag:s19] =	ssyncadd.s32 $0xFFFF8000  }
0x143: {  	v3 =	vld [tilespmem:$0xC0];
	_ =	sdelay $0x4  }
0x144: {  	v44 =	vshll.u32 v3, $0x3  }
0x145: {  	v3 =	vand.u32 $0x7, v3;
	v4 =	vand.u32 $0xFFFFFFC0, v44  }
0x146: {  	v3 =	vor.u32 v3, v4  }
0x147: {  	v4 =	vperm.xlane v3, v0;
	_ =	sdelay $0x1  }
0x148: {  	v4 =	vadd.s32 v1, v4;
	_ =	sdelay $0x4  }
0x149: {  	[tilespmem:s10], [sflag:$0x1] =	stream.indirect_vreg.gather [hbm4b:s2+s3], $0x80, v4, vm0, $0xb8;
	[tilespmem:$0x10200] =	vst v63  }
0x14a: {  	s22 =	simm.s32 $0xA00;
	v3 =	vperm.xlane v3, v2  }
0x14b: {  	[tilespmem:s22], [sflag:$0x1] =	stream.indirect_vreg.gather [hbm4b:s5+s3], $0x80, v4, vm0, $0xb8;
	[tilespmem:$0x10200] =	vst v63  }
0x14c: {  	v3 =	vadd.s32 v1, v3;
	s22 =	simm.s32 $0x1200  }
0x14d: {  	[tilespmem:s22], [sflag:$0x1] =	stream.indirect_vreg.gather [hbm4b:s6+s3], $0x80, v4, vm0, $0xb8;
	[tilespmem:$0x10200] =	vst v63  }
0x14e: {  	s22 =	simm.s32 $0x1A00  }
0x14f: {  	[tilespmem:s22], [sflag:$0x1] =	stream.indirect_vreg.gather [hbm4b:s7+s3], $0x80, v4, vm0, $0xb8;
	[tilespmem:$0x10200] =	vst v63  }
0x150: {  	s22 =	simm.s32 $0x2200  }
0x151: {  	[tilespmem:s22], [sflag:$0x1] =	stream.indirect_vreg.gather [hbm4b:s2+s3], $0x80, v3, vm0, $0xb8;
	[tilespmem:$0x10200] =	vst v63  }
0x152: {  	s22 =	simm.s32 $0x2A00  }
0x153: {  	[tilespmem:s22], [sflag:$0x1] =	stream.indirect_vreg.gather [hbm4b:s5+s3], $0x80, v3, vm0, $0xb8;
	[tilespmem:$0x10200] =	vst v63  }
0x154: {  	s31 =	simm.s32 $0x3200  }
0x155: {  	[tilespmem:s31], [sflag:$0x1] =	stream.indirect_vreg.gather [hbm4b:s6+s3], $0x80, v3, vm0, $0xb8;
	[tilespmem:$0x10200] =	vst v63  }
0x156: {  	s22 =	simm.s32 $0x3A00  }
0x157: {  	[tilespmem:s22], [sflag:$0x1] =	stream.indirect_vreg.gather [hbm4b:s7+s3], $0x80, v3, vm0, $0xb8;
	[tilespmem:$0x10200] =	vst v63  }
0x158: {  	v3 =	vld [tilespmem:$0xD0];
	_ =	sdelay $0x4  }
0x159: {  	v45 =	vshll.u32 v3, $0x3  }
0x15a: {  	v3 =	vand.u32 $0x7, v3;
	v4 =	vand.u32 $0xFFFFFFC0, v45  }
0x15b: {  	v3 =	vor.u32 v3, v4  }
0x15c: {  	v4 =	vperm.xlane v3, v0;
	_ =	sdelay $0x1  }
0x15d: {  	v4 =	vadd.s32 v1, v4;
	_ =	sdelay $0x3  }
0x15e: {  	s16 =	simm.s32 $0x4200  }
0x15f: {  	[tilespmem:s16], [sflag:$0x1] =	stream.indirect_vreg.gather [hbm4b:s2+s3], $0x80, v4, vm0, $0xb8;
	[tilespmem:$0x10200] =	vst v63  }
0x160: {  	s17 =	simm.s32 $0x4A00;
	v3 =	vperm.xlane v3, v2  }
0x161: {  	[tilespmem:s17], [sflag:$0x1] =	stream.indirect_vreg.gather [hbm4b:s5+s3], $0x80, v4, vm0, $0xb8;
	[tilespmem:$0x10200] =	vst v63  }
0x162: {  	s22 =	simm.s32 $0x5200;
	v3 =	vadd.s32 v1, v3  }
0x163: {  	[tilespmem:s22], [sflag:$0x1] =	stream.indirect_vreg.gather [hbm4b:s6+s3], $0x80, v4, vm0, $0xb8;
	[tilespmem:$0x10200] =	vst v63  }
0x164: {  	s30 =	simm.s32 $0x5A00  }
0x165: {  	[tilespmem:s30], [sflag:$0x1] =	stream.indirect_vreg.gather [hbm4b:s7+s3], $0x80, v4, vm0, $0xb8;
	[tilespmem:$0x10200] =	vst v63  }
0x166: {  	s4 =	simm.s32 $0x6200  }
0x167: {  	[tilespmem:s4], [sflag:$0x1] =	stream.indirect_vreg.gather [hbm4b:s2+s3], $0x80, v3, vm0, $0xb8;
	[tilespmem:$0x10200] =	vst v63  }
0x168: {  	s8 =	simm.s32 $0x6A00  }
0x169: {  	[tilespmem:s8], [sflag:$0x1] =	stream.indirect_vreg.gather [hbm4b:s5+s3], $0x80, v3, vm0, $0xb8;
	[tilespmem:$0x10200] =	vst v63  }
0x16a: {  	s9 =	simm.s32 $0x7200  }
0x16b: {  	[tilespmem:s9], [sflag:$0x1] =	stream.indirect_vreg.gather [hbm4b:s6+s3], $0x80, v3, vm0, $0xb8;
	[tilespmem:$0x10200] =	vst v63  }
0x16c: {  	s15 =	simm.s32 $0x7A00  }
0x16d: {  	[tilespmem:s15], [sflag:$0x1] =	stream.indirect_vreg.gather [hbm4b:s7+s3], $0x80, v3, vm0, $0xb8;
	[tilespmem:$0x10200] =	vst v63  }
0x16e: {  	_ =	swait.ge [sflag:s20], $0x8000  }
0x16f: {  	[sflag:s20] =	ssyncset.done $0x0  }
0x170: {  	s22 =	rddreg [dreg:$0x9];
	[sflag:s20] =	ssyncadd.s32 $0xFFFF8000  }
0x171: {  	[hbm4b:s22+s3] =	stream.linear.scatter [tilespmem:s26], [sflag:$0x4], $0x8000, $0x38;
	[tilespmem:$0x10200] =	vst v63  }
0x172: {  	_ =	swait.ge [sflag:s21], $0x8000  }
0x173: {  	[sflag:s21] =	ssyncset.done $0x0  }
0x174: {  	[sflag:s21] =	ssyncadd.s32 $0xFFFF8000  }
0x175: {  	v3 =	vld [tilespmem:$0xE0];
	_ =	sdelay $0x4  }
0x176: {  	v46 =	vshll.u32 v3, $0x3  }
0x177: {  	v3 =	vand.u32 $0x7, v3;
	v4 =	vand.u32 $0xFFFFFFC0, v46  }
0x178: {  	v3 =	vor.u32 v3, v4  }
0x179: {  	v4 =	vperm.xlane v3, v0;
	_ =	sdelay $0x1  }
0x17a: {  	v4 =	vadd.s32 v1, v4;
	_ =	sdelay $0x4  }
0x17b: {  	[tilespmem:s26], [sflag:$0x2] =	stream.indirect_vreg.gather [hbm4b:s2+s3], $0x80, v4, vm0, $0xb8;
	[tilespmem:$0x10200] =	vst v63  }
0x17c: {  	s1 =	simm.s32 $0x8A00;
	v3 =	vperm.xlane v3, v2  }
0x17d: {  	[tilespmem:s1], [sflag:$0x2] =	stream.indirect_vreg.gather [hbm4b:s5+s3], $0x80, v4, vm0, $0xb8;
	[tilespmem:$0x10200] =	vst v63  }
0x17e: {  	s22 =	simm.s32 $0x9200;
	v3 =	vadd.s32 v1, v3  }
0x17f: {  	[tilespmem:s22], [sflag:$0x2] =	stream.indirect_vreg.gather [hbm4b:s6+s3], $0x80, v4, vm0, $0xb8;
	[tilespmem:$0x10200] =	vst v63  }
0x180: {  	s22 =	simm.s32 $0x9A00  }
0x181: {  	[tilespmem:s22], [sflag:$0x2] =	stream.indirect_vreg.gather [hbm4b:s7+s3], $0x80, v4, vm0, $0xb8;
	[tilespmem:$0x10200] =	vst v63  }
0x182: {  	s0 =	simm.s32 $0xA200  }
0x183: {  	[tilespmem:s0], [sflag:$0x2] =	stream.indirect_vreg.gather [hbm4b:s2+s3], $0x80, v3, vm0, $0xb8;
	[tilespmem:$0x10200] =	vst v63  }
0x184: {  	s23 =	simm.s32 $0xAA00  }
0x185: {  	[tilespmem:s23], [sflag:$0x2] =	stream.indirect_vreg.gather [hbm4b:s5+s3], $0x80, v3, vm0, $0xb8;
	[tilespmem:$0x10200] =	vst v63  }
0x186: {  	s29 =	simm.s32 $0xB200  }
0x187: {  	[tilespmem:s29], [sflag:$0x2] =	stream.indirect_vreg.gather [hbm4b:s6+s3], $0x80, v3, vm0, $0xb8;
	[tilespmem:$0x10200] =	vst v63  }
0x188: {  	s22 =	simm.s32 $0xBA00  }
0x189: {  	[tilespmem:s22], [sflag:$0x2] =	stream.indirect_vreg.gather [hbm4b:s7+s3], $0x80, v3, vm0, $0xb8;
	[tilespmem:$0x10200] =	vst v63  }
0x18a: {  	v3 =	vld [tilespmem:$0xF0];
	_ =	sdelay $0x4  }
0x18b: {  	v47 =	vshll.u32 v3, $0x3  }
0x18c: {  	v3 =	vand.u32 $0x7, v3;
	v4 =	vand.u32 $0xFFFFFFC0, v47  }
0x18d: {  	v3 =	vor.u32 v3, v4  }
0x18e: {  	v4 =	vperm.xlane v3, v0;
	_ =	sdelay $0x1  }
0x18f: {  	v4 =	vadd.s32 v1, v4;
	_ =	sdelay $0x3  }
0x190: {  	s22 =	simm.s32 $0xC200  }
0x191: {  	[tilespmem:s22], [sflag:$0x2] =	stream.indirect_vreg.gather [hbm4b:s2+s3], $0x80, v4, vm0, $0xb8;
	[tilespmem:$0x10200] =	vst v63  }
0x192: {  	v3 =	vperm.xlane v3, v2;
	s22 =	simm.s32 $0xCA00  }
0x193: {  	[tilespmem:s22], [sflag:$0x2] =	stream.indirect_vreg.gather [hbm4b:s5+s3], $0x80, v4, vm0, $0xb8;
	[tilespmem:$0x10200] =	vst v63  }
0x194: {  	s12 =	simm.s32 $0xD200;
	v3 =	vadd.s32 v1, v3  }
0x195: {  	[tilespmem:s12], [sflag:$0x2] =	stream.indirect_vreg.gather [hbm4b:s6+s3], $0x80, v4, vm0, $0xb8;
	[tilespmem:$0x10200] =	vst v63  }
0x196: {  	s13 =	simm.s32 $0xDA00  }
0x197: {  	[tilespmem:s13], [sflag:$0x2] =	stream.indirect_vreg.gather [hbm4b:s7+s3], $0x80, v4, vm0, $0xb8;
	[tilespmem:$0x10200] =	vst v63  }
0x198: {  	s14 =	simm.s32 $0xE200  }
0x199: {  	[tilespmem:s14], [sflag:$0x2] =	stream.indirect_vreg.gather [hbm4b:s2+s3], $0x80, v3, vm0, $0xb8;
	[tilespmem:$0x10200] =	vst v63  }
0x19a: {  	s25 =	simm.s32 $0xEA00  }
0x19b: {  	[tilespmem:s25], [sflag:$0x2] =	stream.indirect_vreg.gather [hbm4b:s5+s3], $0x80, v3, vm0, $0xb8;
	[tilespmem:$0x10200] =	vst v63  }
0x19c: {  	s28 =	simm.s32 $0xF200  }
0x19d: {  	[tilespmem:s28], [sflag:$0x2] =	stream.indirect_vreg.gather [hbm4b:s6+s3], $0x80, v3, vm0, $0xb8;
	[tilespmem:$0x10200] =	vst v63  }
0x19e: {  	s11 =	simm.s32 $0xFA00  }
0x19f: {  	[tilespmem:s11], [sflag:$0x2] =	stream.indirect_vreg.gather [hbm4b:s7+s3], $0x80, v3, vm0, $0xb8;
	[tilespmem:$0x10200] =	vst v63  }
0x1a0: {  	_ =	swait.ge [sflag:s18], $0x8000  }
0x1a1: {  	[sflag:s18] =	ssyncset.done $0x0  }
0x1a2: {  	s22 =	rddreg [dreg:$0xa];
	[sflag:s18] =	ssyncadd.s32 $0xFFFF8000  }
0x1a3: {  	[hbm4b:s22+s3] =	stream.linear.scatter [tilespmem:s10], [sflag:$0x3], $0x8000, $0x38;
	[tilespmem:$0x10200] =	vst v63  }
0x1a4: {  	_ =	swait.ge [sflag:s19], $0x8000  }
0x1a5: {  	[sflag:s19] =	ssyncset.done $0x0  }
0x1a6: {  	[sflag:s19] =	ssyncadd.s32 $0xFFFF8000  }
0x1a7: {  	v3 =	vld [tilespmem:$0x100];
	_ =	sdelay $0x4  }
0x1a8: {  	v48 =	vshll.u32 v3, $0x3  }
0x1a9: {  	v3 =	vand.u32 $0x7, v3;
	v4 =	vand.u32 $0xFFFFFFC0, v48  }
0x1aa: {  	v3 =	vor.u32 v3, v4  }
0x1ab: {  	v4 =	vperm.xlane v3, v0;
	_ =	sdelay $0x1  }
0x1ac: {  	v4 =	vadd.s32 v1, v4;
	_ =	sdelay $0x4  }
0x1ad: {  	[tilespmem:s10], [sflag:$0x1] =	stream.indirect_vreg.gather [hbm4b:s2+s3], $0x80, v4, vm0, $0xb8;
	[tilespmem:$0x10200] =	vst v63  }
0x1ae: {  	s22 =	simm.s32 $0xA00;
	v3 =	vperm.xlane v3, v2  }
0x1af: {  	[tilespmem:s22], [sflag:$0x1] =	stream.indirect_vreg.gather [hbm4b:s5+s3], $0x80, v4, vm0, $0xb8;
	[tilespmem:$0x10200] =	vst v63  }
0x1b0: {  	v3 =	vadd.s32 v1, v3;
	s22 =	simm.s32 $0x1200  }
0x1b1: {  	[tilespmem:s22], [sflag:$0x1] =	stream.indirect_vreg.gather [hbm4b:s6+s3], $0x80, v4, vm0, $0xb8;
	[tilespmem:$0x10200] =	vst v63  }
0x1b2: {  	s22 =	simm.s32 $0x1A00  }
0x1b3: {  	[tilespmem:s22], [sflag:$0x1] =	stream.indirect_vreg.gather [hbm4b:s7+s3], $0x80, v4, vm0, $0xb8;
	[tilespmem:$0x10200] =	vst v63  }
0x1b4: {  	s22 =	simm.s32 $0x2200  }
0x1b5: {  	[tilespmem:s22], [sflag:$0x1] =	stream.indirect_vreg.gather [hbm4b:s2+s3], $0x80, v3, vm0, $0xb8;
	[tilespmem:$0x10200] =	vst v63  }
0x1b6: {  	s22 =	simm.s32 $0x2A00  }
0x1b7: {  	[tilespmem:s22], [sflag:$0x1] =	stream.indirect_vreg.gather [hbm4b:s5+s3], $0x80, v3, vm0, $0xb8;
	[tilespmem:$0x10200] =	vst v63  }
0x1b8: {  	s31 =	simm.s32 $0x3200  }
0x1b9: {  	[tilespmem:s31], [sflag:$0x1] =	stream.indirect_vreg.gather [hbm4b:s6+s3], $0x80, v3, vm0, $0xb8;
	[tilespmem:$0x10200] =	vst v63  }
0x1ba: {  	s22 =	simm.s32 $0x3A00  }
0x1bb: {  	[tilespmem:s22], [sflag:$0x1] =	stream.indirect_vreg.gather [hbm4b:s7+s3], $0x80, v3, vm0, $0xb8;
	[tilespmem:$0x10200] =	vst v63  }
0x1bc: {  	v3 =	vld [tilespmem:$0x110];
	_ =	sdelay $0x4  }
0x1bd: {  	v49 =	vshll.u32 v3, $0x3  }
0x1be: {  	v3 =	vand.u32 $0x7, v3;
	v4 =	vand.u32 $0xFFFFFFC0, v49  }
0x1bf: {  	v3 =	vor.u32 v3, v4  }
0x1c0: {  	v4 =	vperm.xlane v3, v0;
	_ =	sdelay $0x1  }
0x1c1: {  	v4 =	vadd.s32 v1, v4;
	_ =	sdelay $0x3  }
0x1c2: {  	s16 =	simm.s32 $0x4200  }
0x1c3: {  	[tilespmem:s16], [sflag:$0x1] =	stream.indirect_vreg.gather [hbm4b:s2+s3], $0x80, v4, vm0, $0xb8;
	[tilespmem:$0x10200] =	vst v63  }
0x1c4: {  	s17 =	simm.s32 $0x4A00;
	v3 =	vperm.xlane v3, v2  }
0x1c5: {  	[tilespmem:s17], [sflag:$0x1] =	stream.indirect_vreg.gather [hbm4b:s5+s3], $0x80, v4, vm0, $0xb8;
	[tilespmem:$0x10200] =	vst v63  }
0x1c6: {  	s22 =	simm.s32 $0x5200;
	v3 =	vadd.s32 v1, v3  }
0x1c7: {  	[tilespmem:s22], [sflag:$0x1] =	stream.indirect_vreg.gather [hbm4b:s6+s3], $0x80, v4, vm0, $0xb8;
	[tilespmem:$0x10200] =	vst v63  }
0x1c8: {  	s30 =	simm.s32 $0x5A00  }
0x1c9: {  	[tilespmem:s30], [sflag:$0x1] =	stream.indirect_vreg.gather [hbm4b:s7+s3], $0x80, v4, vm0, $0xb8;
	[tilespmem:$0x10200] =	vst v63  }
0x1ca: {  	s4 =	simm.s32 $0x6200  }
0x1cb: {  	[tilespmem:s4], [sflag:$0x1] =	stream.indirect_vreg.gather [hbm4b:s2+s3], $0x80, v3, vm0, $0xb8;
	[tilespmem:$0x10200] =	vst v63  }
0x1cc: {  	s8 =	simm.s32 $0x6A00  }
0x1cd: {  	[tilespmem:s8], [sflag:$0x1] =	stream.indirect_vreg.gather [hbm4b:s5+s3], $0x80, v3, vm0, $0xb8;
	[tilespmem:$0x10200] =	vst v63  }
0x1ce: {  	s9 =	simm.s32 $0x7200  }
0x1cf: {  	[tilespmem:s9], [sflag:$0x1] =	stream.indirect_vreg.gather [hbm4b:s6+s3], $0x80, v3, vm0, $0xb8;
	[tilespmem:$0x10200] =	vst v63  }
0x1d0: {  	s15 =	simm.s32 $0x7A00  }
0x1d1: {  	[tilespmem:s15], [sflag:$0x1] =	stream.indirect_vreg.gather [hbm4b:s7+s3], $0x80, v3, vm0, $0xb8;
	[tilespmem:$0x10200] =	vst v63  }
0x1d2: {  	_ =	swait.ge [sflag:s20], $0x8000  }
0x1d3: {  	[sflag:s20] =	ssyncset.done $0x0  }
0x1d4: {  	s22 =	rddreg [dreg:$0xb];
	[sflag:s20] =	ssyncadd.s32 $0xFFFF8000  }
0x1d5: {  	[hbm4b:s22+s3] =	stream.linear.scatter [tilespmem:s26], [sflag:$0x4], $0x8000, $0x38;
	[tilespmem:$0x10200] =	vst v63  }
0x1d6: {  	_ =	swait.ge [sflag:s21], $0x8000  }
0x1d7: {  	[sflag:s21] =	ssyncset.done $0x0  }
0x1d8: {  	[sflag:s21] =	ssyncadd.s32 $0xFFFF8000  }
0x1d9: {  	v3 =	vld [tilespmem:$0x120];
	_ =	sdelay $0x4  }
0x1da: {  	v50 =	vshll.u32 v3, $0x3  }
0x1db: {  	v3 =	vand.u32 $0x7, v3;
	v4 =	vand.u32 $0xFFFFFFC0, v50  }
0x1dc: {  	v3 =	vor.u32 v3, v4  }
0x1dd: {  	v4 =	vperm.xlane v3, v0;
	_ =	sdelay $0x1  }
0x1de: {  	v4 =	vadd.s32 v1, v4;
	_ =	sdelay $0x4  }
0x1df: {  	[tilespmem:s26], [sflag:$0x2] =	stream.indirect_vreg.gather [hbm4b:s2+s3], $0x80, v4, vm0, $0xb8;
	[tilespmem:$0x10200] =	vst v63  }
0x1e0: {  	s1 =	simm.s32 $0x8A00;
	v3 =	vperm.xlane v3, v2  }
0x1e1: {  	[tilespmem:s1], [sflag:$0x2] =	stream.indirect_vreg.gather [hbm4b:s5+s3], $0x80, v4, vm0, $0xb8;
	[tilespmem:$0x10200] =	vst v63  }
0x1e2: {  	s22 =	simm.s32 $0x9200;
	v3 =	vadd.s32 v1, v3  }
0x1e3: {  	[tilespmem:s22], [sflag:$0x2] =	stream.indirect_vreg.gather [hbm4b:s6+s3], $0x80, v4, vm0, $0xb8;
	[tilespmem:$0x10200] =	vst v63  }
0x1e4: {  	s22 =	simm.s32 $0x9A00  }
0x1e5: {  	[tilespmem:s22], [sflag:$0x2] =	stream.indirect_vreg.gather [hbm4b:s7+s3], $0x80, v4, vm0, $0xb8;
	[tilespmem:$0x10200] =	vst v63  }
0x1e6: {  	s0 =	simm.s32 $0xA200  }
0x1e7: {  	[tilespmem:s0], [sflag:$0x2] =	stream.indirect_vreg.gather [hbm4b:s2+s3], $0x80, v3, vm0, $0xb8;
	[tilespmem:$0x10200] =	vst v63  }
0x1e8: {  	s23 =	simm.s32 $0xAA00  }
0x1e9: {  	[tilespmem:s23], [sflag:$0x2] =	stream.indirect_vreg.gather [hbm4b:s5+s3], $0x80, v3, vm0, $0xb8;
	[tilespmem:$0x10200] =	vst v63  }
0x1ea: {  	s29 =	simm.s32 $0xB200  }
0x1eb: {  	[tilespmem:s29], [sflag:$0x2] =	stream.indirect_vreg.gather [hbm4b:s6+s3], $0x80, v3, vm0, $0xb8;
	[tilespmem:$0x10200] =	vst v63  }
0x1ec: {  	s22 =	simm.s32 $0xBA00  }
0x1ed: {  	[tilespmem:s22], [sflag:$0x2] =	stream.indirect_vreg.gather [hbm4b:s7+s3], $0x80, v3, vm0, $0xb8;
	[tilespmem:$0x10200] =	vst v63  }
0x1ee: {  	v3 =	vld [tilespmem:$0x130];
	_ =	sdelay $0x4  }
0x1ef: {  	v51 =	vshll.u32 v3, $0x3  }
0x1f0: {  	v3 =	vand.u32 $0x7, v3;
	v4 =	vand.u32 $0xFFFFFFC0, v51  }
0x1f1: {  	v3 =	vor.u32 v3, v4  }
0x1f2: {  	v4 =	vperm.xlane v3, v0;
	_ =	sdelay $0x1  }
0x1f3: {  	v4 =	vadd.s32 v1, v4;
	_ =	sdelay $0x3  }
0x1f4: {  	s22 =	simm.s32 $0xC200  }
0x1f5: {  	[tilespmem:s22], [sflag:$0x2] =	stream.indirect_vreg.gather [hbm4b:s2+s3], $0x80, v4, vm0, $0xb8;
	[tilespmem:$0x10200] =	vst v63  }
0x1f6: {  	v3 =	vperm.xlane v3, v2;
	s22 =	simm.s32 $0xCA00  }
0x1f7: {  	[tilespmem:s22], [sflag:$0x2] =	stream.indirect_vreg.gather [hbm4b:s5+s3], $0x80, v4, vm0, $0xb8;
	[tilespmem:$0x10200] =	vst v63  }
0x1f8: {  	s12 =	simm.s32 $0xD200;
	v3 =	vadd.s32 v1, v3  }
0x1f9: {  	[tilespmem:s12], [sflag:$0x2] =	stream.indirect_vreg.gather [hbm4b:s6+s3], $0x80, v4, vm0, $0xb8;
	[tilespmem:$0x10200] =	vst v63  }
0x1fa: {  	s13 =	simm.s32 $0xDA00  }
0x1fb: {  	[tilespmem:s13], [sflag:$0x2] =	stream.indirect_vreg.gather [hbm4b:s7+s3], $0x80, v4, vm0, $0xb8;
	[tilespmem:$0x10200] =	vst v63  }
0x1fc: {  	s14 =	simm.s32 $0xE200  }
0x1fd: {  	[tilespmem:s14], [sflag:$0x2] =	stream.indirect_vreg.gather [hbm4b:s2+s3], $0x80, v3, vm0, $0xb8;
	[tilespmem:$0x10200] =	vst v63  }
0x1fe: {  	s25 =	simm.s32 $0xEA00  }
0x1ff: {  	[tilespmem:s25], [sflag:$0x2] =	stream.indirect_vreg.gather [hbm4b:s5+s3], $0x80, v3, vm0, $0xb8;
	[tilespmem:$0x10200] =	vst v63  }
0x200: {  	s28 =	simm.s32 $0xF200  }
0x201: {  	[tilespmem:s28], [sflag:$0x2] =	stream.indirect_vreg.gather [hbm4b:s6+s3], $0x80, v3, vm0, $0xb8;
	[tilespmem:$0x10200] =	vst v63  }
0x202: {  	s11 =	simm.s32 $0xFA00  }
0x203: {  	[tilespmem:s11], [sflag:$0x2] =	stream.indirect_vreg.gather [hbm4b:s7+s3], $0x80, v3, vm0, $0xb8;
	[tilespmem:$0x10200] =	vst v63  }
0x204: {  	_ =	swait.ge [sflag:s18], $0x8000  }
0x205: {  	[sflag:s18] =	ssyncset.done $0x0  }
0x206: {  	s22 =	rddreg [dreg:$0xc];
	[sflag:s18] =	ssyncadd.s32 $0xFFFF8000  }
0x207: {  	[hbm4b:s22+s3] =	stream.linear.scatter [tilespmem:s10], [sflag:$0x3], $0x8000, $0x38;
	[tilespmem:$0x10200] =	vst v63  }
0x208: {  	_ =	swait.ge [sflag:s19], $0x8000  }
0x209: {  	[sflag:s19] =	ssyncset.done $0x0  }
0x20a: {  	[sflag:s19] =	ssyncadd.s32 $0xFFFF8000  }
0x20b: {  	v3 =	vld [tilespmem:$0x140];
	_ =	sdelay $0x4  }
0x20c: {  	v52 =	vshll.u32 v3, $0x3  }
0x20d: {  	v3 =	vand.u32 $0x7, v3;
	v4 =	vand.u32 $0xFFFFFFC0, v52  }
0x20e: {  	v3 =	vor.u32 v3, v4  }
0x20f: {  	v4 =	vperm.xlane v3, v0;
	_ =	sdelay $0x1  }
0x210: {  	v4 =	vadd.s32 v1, v4;
	_ =	sdelay $0x4  }
0x211: {  	[tilespmem:s10], [sflag:$0x1] =	stream.indirect_vreg.gather [hbm4b:s2+s3], $0x80, v4, vm0, $0xb8;
	[tilespmem:$0x10200] =	vst v63  }
0x212: {  	s22 =	simm.s32 $0xA00;
	v3 =	vperm.xlane v3, v2  }
0x213: {  	[tilespmem:s22], [sflag:$0x1] =	stream.indirect_vreg.gather [hbm4b:s5+s3], $0x80, v4, vm0, $0xb8;
	[tilespmem:$0x10200] =	vst v63  }
0x214: {  	v3 =	vadd.s32 v1, v3;
	s22 =	simm.s32 $0x1200  }
0x215: {  	[tilespmem:s22], [sflag:$0x1] =	stream.indirect_vreg.gather [hbm4b:s6+s3], $0x80, v4, vm0, $0xb8;
	[tilespmem:$0x10200] =	vst v63  }
0x216: {  	s22 =	simm.s32 $0x1A00  }
0x217: {  	[tilespmem:s22], [sflag:$0x1] =	stream.indirect_vreg.gather [hbm4b:s7+s3], $0x80, v4, vm0, $0xb8;
	[tilespmem:$0x10200] =	vst v63  }
0x218: {  	s22 =	simm.s32 $0x2200  }
0x219: {  	[tilespmem:s22], [sflag:$0x1] =	stream.indirect_vreg.gather [hbm4b:s2+s3], $0x80, v3, vm0, $0xb8;
	[tilespmem:$0x10200] =	vst v63  }
0x21a: {  	s22 =	simm.s32 $0x2A00  }
0x21b: {  	[tilespmem:s22], [sflag:$0x1] =	stream.indirect_vreg.gather [hbm4b:s5+s3], $0x80, v3, vm0, $0xb8;
	[tilespmem:$0x10200] =	vst v63  }
0x21c: {  	s31 =	simm.s32 $0x3200  }
0x21d: {  	[tilespmem:s31], [sflag:$0x1] =	stream.indirect_vreg.gather [hbm4b:s6+s3], $0x80, v3, vm0, $0xb8;
	[tilespmem:$0x10200] =	vst v63  }
0x21e: {  	s22 =	simm.s32 $0x3A00  }
0x21f: {  	[tilespmem:s22], [sflag:$0x1] =	stream.indirect_vreg.gather [hbm4b:s7+s3], $0x80, v3, vm0, $0xb8;
	[tilespmem:$0x10200] =	vst v63  }
0x220: {  	v3 =	vld [tilespmem:$0x150];
	_ =	sdelay $0x4  }
0x221: {  	v53 =	vshll.u32 v3, $0x3  }
0x222: {  	v3 =	vand.u32 $0x7, v3;
	v4 =	vand.u32 $0xFFFFFFC0, v53  }
0x223: {  	v3 =	vor.u32 v3, v4  }
0x224: {  	v4 =	vperm.xlane v3, v0;
	_ =	sdelay $0x1  }
0x225: {  	v4 =	vadd.s32 v1, v4;
	_ =	sdelay $0x3  }
0x226: {  	s16 =	simm.s32 $0x4200  }
0x227: {  	[tilespmem:s16], [sflag:$0x1] =	stream.indirect_vreg.gather [hbm4b:s2+s3], $0x80, v4, vm0, $0xb8;
	[tilespmem:$0x10200] =	vst v63  }
0x228: {  	s17 =	simm.s32 $0x4A00;
	v3 =	vperm.xlane v3, v2  }
0x229: {  	[tilespmem:s17], [sflag:$0x1] =	stream.indirect_vreg.gather [hbm4b:s5+s3], $0x80, v4, vm0, $0xb8;
	[tilespmem:$0x10200] =	vst v63  }
0x22a: {  	s22 =	simm.s32 $0x5200;
	v3 =	vadd.s32 v1, v3  }
0x22b: {  	[tilespmem:s22], [sflag:$0x1] =	stream.indirect_vreg.gather [hbm4b:s6+s3], $0x80, v4, vm0, $0xb8;
	[tilespmem:$0x10200] =	vst v63  }
0x22c: {  	s30 =	simm.s32 $0x5A00  }
0x22d: {  	[tilespmem:s30], [sflag:$0x1] =	stream.indirect_vreg.gather [hbm4b:s7+s3], $0x80, v4, vm0, $0xb8;
	[tilespmem:$0x10200] =	vst v63  }
0x22e: {  	s4 =	simm.s32 $0x6200  }
0x22f: {  	[tilespmem:s4], [sflag:$0x1] =	stream.indirect_vreg.gather [hbm4b:s2+s3], $0x80, v3, vm0, $0xb8;
	[tilespmem:$0x10200] =	vst v63  }
0x230: {  	s8 =	simm.s32 $0x6A00  }
0x231: {  	[tilespmem:s8], [sflag:$0x1] =	stream.indirect_vreg.gather [hbm4b:s5+s3], $0x80, v3, vm0, $0xb8;
	[tilespmem:$0x10200] =	vst v63  }
0x232: {  	s9 =	simm.s32 $0x7200  }
0x233: {  	[tilespmem:s9], [sflag:$0x1] =	stream.indirect_vreg.gather [hbm4b:s6+s3], $0x80, v3, vm0, $0xb8;
	[tilespmem:$0x10200] =	vst v63  }
0x234: {  	s15 =	simm.s32 $0x7A00  }
0x235: {  	[tilespmem:s15], [sflag:$0x1] =	stream.indirect_vreg.gather [hbm4b:s7+s3], $0x80, v3, vm0, $0xb8;
	[tilespmem:$0x10200] =	vst v63  }
0x236: {  	_ =	swait.ge [sflag:s20], $0x8000  }
0x237: {  	[sflag:s20] =	ssyncset.done $0x0  }
0x238: {  	s30 =	rddreg [dreg:$0xd];
	[sflag:s20] =	ssyncadd.s32 $0xFFFF8000  }
0x239: {  	[hbm4b:s30+s3] =	stream.linear.scatter [tilespmem:s26], [sflag:$0x4], $0x8000, $0x38;
	[tilespmem:$0x10200] =	vst v63  }
0x23a: {  	_ =	swait.ge [sflag:s21], $0x8000  }
0x23b: {  	[sflag:s21] =	ssyncset.done $0x0  }
0x23c: {  	[sflag:s21] =	ssyncadd.s32 $0xFFFF8000  }
0x23d: {  	v3 =	vld [tilespmem:$0x160];
	_ =	sdelay $0x4  }
0x23e: {  	v54 =	vshll.u32 v3, $0x3  }
0x23f: {  	v3 =	vand.u32 $0x7, v3;
	v4 =	vand.u32 $0xFFFFFFC0, v54  }
0x240: {  	v3 =	vor.u32 v3, v4  }
0x241: {  	v4 =	vperm.xlane v3, v0;
	_ =	sdelay $0x1  }
0x242: {  	v4 =	vadd.s32 v1, v4;
	_ =	sdelay $0x4  }
0x243: {  	[tilespmem:s26], [sflag:$0x2] =	stream.indirect_vreg.gather [hbm4b:s2+s3], $0x80, v4, vm0, $0xb8;
	[tilespmem:$0x10200] =	vst v63  }
0x244: {  	s1 =	simm.s32 $0x8A00;
	v3 =	vperm.xlane v3, v2  }
0x245: {  	[tilespmem:s1], [sflag:$0x2] =	stream.indirect_vreg.gather [hbm4b:s5+s3], $0x80, v4, vm0, $0xb8;
	[tilespmem:$0x10200] =	vst v63  }
0x246: {  	s30 =	simm.s32 $0x9200;
	v3 =	vadd.s32 v1, v3  }
0x247: {  	[tilespmem:s30], [sflag:$0x2] =	stream.indirect_vreg.gather [hbm4b:s6+s3], $0x80, v4, vm0, $0xb8;
	[tilespmem:$0x10200] =	vst v63  }
0x248: {  	s30 =	simm.s32 $0x9A00  }
0x249: {  	[tilespmem:s30], [sflag:$0x2] =	stream.indirect_vreg.gather [hbm4b:s7+s3], $0x80, v4, vm0, $0xb8;
	[tilespmem:$0x10200] =	vst v63  }
0x24a: {  	s0 =	simm.s32 $0xA200  }
0x24b: {  	[tilespmem:s0], [sflag:$0x2] =	stream.indirect_vreg.gather [hbm4b:s2+s3], $0x80, v3, vm0, $0xb8;
	[tilespmem:$0x10200] =	vst v63  }
0x24c: {  	s23 =	simm.s32 $0xAA00  }
0x24d: {  	[tilespmem:s23], [sflag:$0x2] =	stream.indirect_vreg.gather [hbm4b:s5+s3], $0x80, v3, vm0, $0xb8;
	[tilespmem:$0x10200] =	vst v63  }
0x24e: {  	s29 =	simm.s32 $0xB200  }
0x24f: {  	[tilespmem:s29], [sflag:$0x2] =	stream.indirect_vreg.gather [hbm4b:s6+s3], $0x80, v3, vm0, $0xb8;
	[tilespmem:$0x10200] =	vst v63  }
0x250: {  	s22 =	simm.s32 $0xBA00  }
0x251: {  	[tilespmem:s22], [sflag:$0x2] =	stream.indirect_vreg.gather [hbm4b:s7+s3], $0x80, v3, vm0, $0xb8;
	[tilespmem:$0x10200] =	vst v63  }
0x252: {  	v3 =	vld [tilespmem:$0x170];
	_ =	sdelay $0x4  }
0x253: {  	v55 =	vshll.u32 v3, $0x3  }
0x254: {  	v3 =	vand.u32 $0x7, v3;
	v4 =	vand.u32 $0xFFFFFFC0, v55  }
0x255: {  	v3 =	vor.u32 v3, v4  }
0x256: {  	v4 =	vperm.xlane v3, v0;
	_ =	sdelay $0x1  }
0x257: {  	v4 =	vadd.s32 v1, v4;
	_ =	sdelay $0x3  }
0x258: {  	s22 =	simm.s32 $0xC200  }
0x259: {  	[tilespmem:s22], [sflag:$0x2] =	stream.indirect_vreg.gather [hbm4b:s2+s3], $0x80, v4, vm0, $0xb8;
	[tilespmem:$0x10200] =	vst v63  }
0x25a: {  	v3 =	vperm.xlane v3, v2;
	s22 =	simm.s32 $0xCA00  }
0x25b: {  	[tilespmem:s22], [sflag:$0x2] =	stream.indirect_vreg.gather [hbm4b:s5+s3], $0x80, v4, vm0, $0xb8;
	[tilespmem:$0x10200] =	vst v63  }
0x25c: {  	s12 =	simm.s32 $0xD200;
	v3 =	vadd.s32 v1, v3  }
0x25d: {  	[tilespmem:s12], [sflag:$0x2] =	stream.indirect_vreg.gather [hbm4b:s6+s3], $0x80, v4, vm0, $0xb8;
	[tilespmem:$0x10200] =	vst v63  }
0x25e: {  	s13 =	simm.s32 $0xDA00  }
0x25f: {  	[tilespmem:s13], [sflag:$0x2] =	stream.indirect_vreg.gather [hbm4b:s7+s3], $0x80, v4, vm0, $0xb8;
	[tilespmem:$0x10200] =	vst v63  }
0x260: {  	s14 =	simm.s32 $0xE200  }
0x261: {  	[tilespmem:s14], [sflag:$0x2] =	stream.indirect_vreg.gather [hbm4b:s2+s3], $0x80, v3, vm0, $0xb8;
	[tilespmem:$0x10200] =	vst v63  }
0x262: {  	s25 =	simm.s32 $0xEA00  }
0x263: {  	[tilespmem:s25], [sflag:$0x2] =	stream.indirect_vreg.gather [hbm4b:s5+s3], $0x80, v3, vm0, $0xb8;
	[tilespmem:$0x10200] =	vst v63  }
0x264: {  	s28 =	simm.s32 $0xF200  }
0x265: {  	[tilespmem:s28], [sflag:$0x2] =	stream.indirect_vreg.gather [hbm4b:s6+s3], $0x80, v3, vm0, $0xb8;
	[tilespmem:$0x10200] =	vst v63  }
0x266: {  	s11 =	simm.s32 $0xFA00  }
0x267: {  	[tilespmem:s11], [sflag:$0x2] =	stream.indirect_vreg.gather [hbm4b:s7+s3], $0x80, v3, vm0, $0xb8;
	[tilespmem:$0x10200] =	vst v63  }
0x268: {  	_ =	swait.ge [sflag:s18], $0x8000  }
0x269: {  	[sflag:s18] =	ssyncset.done $0x0  }
0x26a: {  	s11 =	rddreg [dreg:$0xe];
	[sflag:s18] =	ssyncadd.s32 $0xFFFF8000  }
0x26b: {  	[hbm4b:s11+s3] =	stream.linear.scatter [tilespmem:s10], [sflag:$0x3], $0x8000, $0x38;
	[tilespmem:$0x10200] =	vst v63  }
0x26c: {  	_ =	swait.ge [sflag:s19], $0x8000  }
0x26d: {  	[sflag:s19] =	ssyncset.done $0x0  }
0x26e: {  	[sflag:s19] =	ssyncadd.s32 $0xFFFF8000  }
0x26f: {  	v3 =	vld [tilespmem:$0x180];
	_ =	sdelay $0x4  }
0x270: {  	v56 =	vshll.u32 v3, $0x3  }
0x271: {  	v3 =	vand.u32 $0x7, v3;
	v4 =	vand.u32 $0xFFFFFFC0, v56  }
0x272: {  	v3 =	vor.u32 v3, v4  }
0x273: {  	v4 =	vperm.xlane v3, v0;
	_ =	sdelay $0x1  }
0x274: {  	v4 =	vadd.s32 v1, v4;
	_ =	sdelay $0x4  }
0x275: {  	[tilespmem:s10], [sflag:$0x1] =	stream.indirect_vreg.gather [hbm4b:s2+s3], $0x80, v4, vm0, $0xb8;
	[tilespmem:$0x10200] =	vst v63  }
0x276: {  	s12 =	simm.s32 $0xA00;
	v3 =	vperm.xlane v3, v2  }
0x277: {  	[tilespmem:s12], [sflag:$0x1] =	stream.indirect_vreg.gather [hbm4b:s5+s3], $0x80, v4, vm0, $0xb8;
	[tilespmem:$0x10200] =	vst v63  }
0x278: {  	s13 =	simm.s32 $0x1200;
	v3 =	vadd.s32 v1, v3  }
0x279: {  	[tilespmem:s13], [sflag:$0x1] =	stream.indirect_vreg.gather [hbm4b:s6+s3], $0x80, v4, vm0, $0xb8;
	[tilespmem:$0x10200] =	vst v63  }
0x27a: {  	s22 =	simm.s32 $0x1A00  }
0x27b: {  	[tilespmem:s22], [sflag:$0x1] =	stream.indirect_vreg.gather [hbm4b:s7+s3], $0x80, v4, vm0, $0xb8;
	[tilespmem:$0x10200] =	vst v63  }
0x27c: {  	s11 =	simm.s32 $0x2200  }
0x27d: {  	[tilespmem:s11], [sflag:$0x1] =	stream.indirect_vreg.gather [hbm4b:s2+s3], $0x80, v3, vm0, $0xb8;
	[tilespmem:$0x10200] =	vst v63  }
0x27e: {  	s12 =	simm.s32 $0x2A00  }
0x27f: {  	[tilespmem:s12], [sflag:$0x1] =	stream.indirect_vreg.gather [hbm4b:s5+s3], $0x80, v3, vm0, $0xb8;
	[tilespmem:$0x10200] =	vst v63  }
0x280: {  	s31 =	simm.s32 $0x3200  }
0x281: {  	[tilespmem:s31], [sflag:$0x1] =	stream.indirect_vreg.gather [hbm4b:s6+s3], $0x80, v3, vm0, $0xb8;
	[tilespmem:$0x10200] =	vst v63  }
0x282: {  	s13 =	simm.s32 $0x3A00  }
0x283: {  	[tilespmem:s13], [sflag:$0x1] =	stream.indirect_vreg.gather [hbm4b:s7+s3], $0x80, v3, vm0, $0xb8;
	[tilespmem:$0x10200] =	vst v63  }
0x284: {  	v3 =	vld [tilespmem:$0x190];
	_ =	sdelay $0x4  }
0x285: {  	v57 =	vshll.u32 v3, $0x3  }
0x286: {  	v3 =	vand.u32 $0x7, v3;
	v4 =	vand.u32 $0xFFFFFFC0, v57  }
0x287: {  	v3 =	vor.u32 v3, v4  }
0x288: {  	v4 =	vperm.xlane v3, v0;
	_ =	sdelay $0x1  }
0x289: {  	v4 =	vadd.s32 v1, v4;
	_ =	sdelay $0x3  }
0x28a: {  	s16 =	simm.s32 $0x4200  }
0x28b: {  	[tilespmem:s16], [sflag:$0x1] =	stream.indirect_vreg.gather [hbm4b:s2+s3], $0x80, v4, vm0, $0xb8;
	[tilespmem:$0x10200] =	vst v63  }
0x28c: {  	s17 =	simm.s32 $0x4A00;
	v3 =	vperm.xlane v3, v2  }
0x28d: {  	[tilespmem:s17], [sflag:$0x1] =	stream.indirect_vreg.gather [hbm4b:s5+s3], $0x80, v4, vm0, $0xb8;
	[tilespmem:$0x10200] =	vst v63  }
0x28e: {  	s22 =	simm.s32 $0x5200;
	v3 =	vadd.s32 v1, v3  }
0x28f: {  	[tilespmem:s22], [sflag:$0x1] =	stream.indirect_vreg.gather [hbm4b:s6+s3], $0x80, v4, vm0, $0xb8;
	[tilespmem:$0x10200] =	vst v63  }
0x290: {  	s31 =	simm.s32 $0x5A00  }
0x291: {  	[tilespmem:s31], [sflag:$0x1] =	stream.indirect_vreg.gather [hbm4b:s7+s3], $0x80, v4, vm0, $0xb8;
	[tilespmem:$0x10200] =	vst v63  }
0x292: {  	s4 =	simm.s32 $0x6200  }
0x293: {  	[tilespmem:s4], [sflag:$0x1] =	stream.indirect_vreg.gather [hbm4b:s2+s3], $0x80, v3, vm0, $0xb8;
	[tilespmem:$0x10200] =	vst v63  }
0x294: {  	s8 =	simm.s32 $0x6A00  }
0x295: {  	[tilespmem:s8], [sflag:$0x1] =	stream.indirect_vreg.gather [hbm4b:s5+s3], $0x80, v3, vm0, $0xb8;
	[tilespmem:$0x10200] =	vst v63  }
0x296: {  	s9 =	simm.s32 $0x7200  }
0x297: {  	[tilespmem:s9], [sflag:$0x1] =	stream.indirect_vreg.gather [hbm4b:s6+s3], $0x80, v3, vm0, $0xb8;
	[tilespmem:$0x10200] =	vst v63  }
0x298: {  	s15 =	simm.s32 $0x7A00  }
0x299: {  	[tilespmem:s15], [sflag:$0x1] =	stream.indirect_vreg.gather [hbm4b:s7+s3], $0x80, v3, vm0, $0xb8;
	[tilespmem:$0x10200] =	vst v63  }
0x29a: {  	_ =	swait.ge [sflag:s20], $0x8000  }
0x29b: {  	[sflag:s20] =	ssyncset.done $0x0  }
0x29c: {  	s13 =	rddreg [dreg:$0xf];
	[sflag:s20] =	ssyncadd.s32 $0xFFFF8000  }
0x29d: {  	[hbm4b:s13+s3] =	stream.linear.scatter [tilespmem:s26], [sflag:$0x4], $0x8000, $0x38;
	[tilespmem:$0x10200] =	vst v63  }
0x29e: {  	_ =	swait.ge [sflag:s21], $0x8000  }
0x29f: {  	[sflag:s21] =	ssyncset.done $0x0  }
0x2a0: {  	[sflag:s21] =	ssyncadd.s32 $0xFFFF8000  }
0x2a1: {  	v3 =	vld [tilespmem:$0x1A0];
	_ =	sdelay $0x4  }
0x2a2: {  	v58 =	vshll.u32 v3, $0x3  }
0x2a3: {  	v3 =	vand.u32 $0x7, v3;
	v4 =	vand.u32 $0xFFFFFFC0, v58  }
0x2a4: {  	v3 =	vor.u32 v3, v4  }
0x2a5: {  	v4 =	vperm.xlane v3, v0;
	_ =	sdelay $0x1  }
0x2a6: {  	v4 =	vadd.s32 v1, v4;
	_ =	sdelay $0x4  }
0x2a7: {  	[tilespmem:s26], [sflag:$0x2] =	stream.indirect_vreg.gather [hbm4b:s2+s3], $0x80, v4, vm0, $0xb8;
	[tilespmem:$0x10200] =	vst v63  }
0x2a8: {  	s1 =	simm.s32 $0x8A00;
	v3 =	vperm.xlane v3, v2  }
0x2a9: {  	[tilespmem:s1], [sflag:$0x2] =	stream.indirect_vreg.gather [hbm4b:s5+s3], $0x80, v4, vm0, $0xb8;
	[tilespmem:$0x10200] =	vst v63  }
0x2aa: {  	s15 =	simm.s32 $0x9200;
	v3 =	vadd.s32 v1, v3  }
0x2ab: {  	[tilespmem:s15], [sflag:$0x2] =	stream.indirect_vreg.gather [hbm4b:s6+s3], $0x80, v4, vm0, $0xb8;
	[tilespmem:$0x10200] =	vst v63  }
0x2ac: {  	s22 =	simm.s32 $0x9A00  }
0x2ad: {  	[tilespmem:s22], [sflag:$0x2] =	stream.indirect_vreg.gather [hbm4b:s7+s3], $0x80, v4, vm0, $0xb8;
	[tilespmem:$0x10200] =	vst v63  }
0x2ae: {  	s30 =	simm.s32 $0xA200  }
0x2af: {  	[tilespmem:s30], [sflag:$0x2] =	stream.indirect_vreg.gather [hbm4b:s2+s3], $0x80, v3, vm0, $0xb8;
	[tilespmem:$0x10200] =	vst v63  }
0x2b0: {  	s23 =	simm.s32 $0xAA00  }
0x2b1: {  	[tilespmem:s23], [sflag:$0x2] =	stream.indirect_vreg.gather [hbm4b:s5+s3], $0x80, v3, vm0, $0xb8;
	[tilespmem:$0x10200] =	vst v63  }
0x2b2: {  	s29 =	simm.s32 $0xB200  }
0x2b3: {  	[tilespmem:s29], [sflag:$0x2] =	stream.indirect_vreg.gather [hbm4b:s6+s3], $0x80, v3, vm0, $0xb8;
	[tilespmem:$0x10200] =	vst v63  }
0x2b4: {  	s30 =	simm.s32 $0xBA00  }
0x2b5: {  	[tilespmem:s30], [sflag:$0x2] =	stream.indirect_vreg.gather [hbm4b:s7+s3], $0x80, v3, vm0, $0xb8;
	[tilespmem:$0x10200] =	vst v63  }
0x2b6: {  	v3 =	vld [tilespmem:$0x1B0];
	_ =	sdelay $0x4  }
0x2b7: {  	v59 =	vshll.u32 v3, $0x3  }
0x2b8: {  	v3 =	vand.u32 $0x7, v3;
	v4 =	vand.u32 $0xFFFFFFC0, v59  }
0x2b9: {  	v3 =	vor.u32 v3, v4  }
0x2ba: {  	v4 =	vperm.xlane v3, v0;
	_ =	sdelay $0x1  }
0x2bb: {  	v4 =	vadd.s32 v1, v4;
	_ =	sdelay $0x3  }
0x2bc: {  	s29 =	simm.s32 $0xC200  }
0x2bd: {  	[tilespmem:s29], [sflag:$0x2] =	stream.indirect_vreg.gather [hbm4b:s2+s3], $0x80, v4, vm0, $0xb8;
	[tilespmem:$0x10200] =	vst v63  }
0x2be: {  	s30 =	simm.s32 $0xCA00;
	v3 =	vperm.xlane v3, v2  }
0x2bf: {  	[tilespmem:s30], [sflag:$0x2] =	stream.indirect_vreg.gather [hbm4b:s5+s3], $0x80, v4, vm0, $0xb8;
	[tilespmem:$0x10200] =	vst v63  }
0x2c0: {  	v3 =	vadd.s32 v1, v3;
	s29 =	simm.s32 $0xD200  }
0x2c1: {  	[tilespmem:s29], [sflag:$0x2] =	stream.indirect_vreg.gather [hbm4b:s6+s3], $0x80, v4, vm0, $0xb8;
	[tilespmem:$0x10200] =	vst v63  }
0x2c2: {  	s30 =	simm.s32 $0xDA00  }
0x2c3: {  	[tilespmem:s30], [sflag:$0x2] =	stream.indirect_vreg.gather [hbm4b:s7+s3], $0x80, v4, vm0, $0xb8;
	[tilespmem:$0x10200] =	vst v63  }
0x2c4: {  	s14 =	simm.s32 $0xE200  }
0x2c5: {  	[tilespmem:s14], [sflag:$0x2] =	stream.indirect_vreg.gather [hbm4b:s2+s3], $0x80, v3, vm0, $0xb8;
	[tilespmem:$0x10200] =	vst v63  }
0x2c6: {  	s25 =	simm.s32 $0xEA00  }
0x2c7: {  	[tilespmem:s25], [sflag:$0x2] =	stream.indirect_vreg.gather [hbm4b:s5+s3], $0x80, v3, vm0, $0xb8;
	[tilespmem:$0x10200] =	vst v63  }
0x2c8: {  	s28 =	simm.s32 $0xF200  }
0x2c9: {  	[tilespmem:s28], [sflag:$0x2] =	stream.indirect_vreg.gather [hbm4b:s6+s3], $0x80, v3, vm0, $0xb8;
	[tilespmem:$0x10200] =	vst v63  }
0x2ca: {  	s22 =	simm.s32 $0xFA00  }
0x2cb: {  	[tilespmem:s22], [sflag:$0x2] =	stream.indirect_vreg.gather [hbm4b:s7+s3], $0x80, v3, vm0, $0xb8;
	[tilespmem:$0x10200] =	vst v63  }
0x2cc: {  	_ =	swait.ge [sflag:s18], $0x8000  }
0x2cd: {  	[sflag:s18] =	ssyncset.done $0x0  }
0x2ce: {  	s22 =	rddreg [dreg:$0x10];
	[sflag:s18] =	ssyncadd.s32 $0xFFFF8000  }
0x2cf: {  	[hbm4b:s22+s3] =	stream.linear.scatter [tilespmem:s10], [sflag:$0x3], $0x8000, $0x38;
	[tilespmem:$0x10200] =	vst v63  }
0x2d0: {  	_ =	swait.ge [sflag:s19], $0x8000  }
0x2d1: {  	[sflag:s19] =	ssyncset.done $0x0  }
0x2d2: {  	[sflag:s19] =	ssyncadd.s32 $0xFFFF8000  }
0x2d3: {  	v3 =	vld [tilespmem:$0x1C0];
	_ =	sdelay $0x4  }
0x2d4: {  	v60 =	vshll.u32 v3, $0x3  }
0x2d5: {  	v3 =	vand.u32 $0x7, v3;
	v4 =	vand.u32 $0xFFFFFFC0, v60  }
0x2d6: {  	v3 =	vor.u32 v3, v4  }
0x2d7: {  	v4 =	vperm.xlane v3, v0;
	_ =	sdelay $0x1  }
0x2d8: {  	v4 =	vadd.s32 v1, v4;
	_ =	sdelay $0x4  }
0x2d9: {  	[tilespmem:s10], [sflag:$0x1] =	stream.indirect_vreg.gather [hbm4b:s2+s3], $0x80, v4, vm0, $0xb8;
	[tilespmem:$0x10200] =	vst v63  }
0x2da: {  	s22 =	simm.s32 $0xA00;
	v3 =	vperm.xlane v3, v2  }
0x2db: {  	[tilespmem:s22], [sflag:$0x1] =	stream.indirect_vreg.gather [hbm4b:s5+s3], $0x80, v4, vm0, $0xb8;
	[tilespmem:$0x10200] =	vst v63  }
0x2dc: {  	v3 =	vadd.s32 v1, v3;
	s22 =	simm.s32 $0x1200  }
0x2dd: {  	[tilespmem:s22], [sflag:$0x1] =	stream.indirect_vreg.gather [hbm4b:s6+s3], $0x80, v4, vm0, $0xb8;
	[tilespmem:$0x10200] =	vst v63  }
0x2de: {  	s22 =	simm.s32 $0x1A00  }
0x2df: {  	[tilespmem:s22], [sflag:$0x1] =	stream.indirect_vreg.gather [hbm4b:s7+s3], $0x80, v4, vm0, $0xb8;
	[tilespmem:$0x10200] =	vst v63  }
0x2e0: {  	s22 =	simm.s32 $0x2200  }
0x2e1: {  	[tilespmem:s22], [sflag:$0x1] =	stream.indirect_vreg.gather [hbm4b:s2+s3], $0x80, v3, vm0, $0xb8;
	[tilespmem:$0x10200] =	vst v63  }
0x2e2: {  	s22 =	simm.s32 $0x2A00  }
0x2e3: {  	[tilespmem:s22], [sflag:$0x1] =	stream.indirect_vreg.gather [hbm4b:s5+s3], $0x80, v3, vm0, $0xb8;
	[tilespmem:$0x10200] =	vst v63  }
0x2e4: {  	s12 =	simm.s32 $0x3200  }
0x2e5: {  	[tilespmem:s12], [sflag:$0x1] =	stream.indirect_vreg.gather [hbm4b:s6+s3], $0x80, v3, vm0, $0xb8;
	[tilespmem:$0x10200] =	vst v63  }
0x2e6: {  	s22 =	simm.s32 $0x3A00  }
0x2e7: {  	[tilespmem:s22], [sflag:$0x1] =	stream.indirect_vreg.gather [hbm4b:s7+s3], $0x80, v3, vm0, $0xb8;
	[tilespmem:$0x10200] =	vst v63  }
0x2e8: {  	v3 =	vld [tilespmem:$0x1D0];
	_ =	sdelay $0x4  }
0x2e9: {  	v61 =	vshll.u32 v3, $0x3  }
0x2ea: {  	v3 =	vand.u32 $0x7, v3;
	v4 =	vand.u32 $0xFFFFFFC0, v61  }
0x2eb: {  	v3 =	vor.u32 v3, v4  }
0x2ec: {  	v4 =	vperm.xlane v3, v0;
	_ =	sdelay $0x1  }
0x2ed: {  	v4 =	vadd.s32 v1, v4;
	_ =	sdelay $0x3  }
0x2ee: {  	s0 =	simm.s32 $0x4200  }
0x2ef: {  	[tilespmem:s0], [sflag:$0x1] =	stream.indirect_vreg.gather [hbm4b:s2+s3], $0x80, v4, vm0, $0xb8;
	[tilespmem:$0x10200] =	vst v63  }
0x2f0: {  	s16 =	simm.s32 $0x4A00;
	v3 =	vperm.xlane v3, v2  }
0x2f1: {  	[tilespmem:s16], [sflag:$0x1] =	stream.indirect_vreg.gather [hbm4b:s5+s3], $0x80, v4, vm0, $0xb8;
	[tilespmem:$0x10200] =	vst v63  }
0x2f2: {  	s22 =	simm.s32 $0x5200;
	v3 =	vadd.s32 v1, v3  }
0x2f3: {  	[tilespmem:s22], [sflag:$0x1] =	stream.indirect_vreg.gather [hbm4b:s6+s3], $0x80, v4, vm0, $0xb8;
	[tilespmem:$0x10200] =	vst v63  }
0x2f4: {  	s31 =	simm.s32 $0x5A00  }
0x2f5: {  	[tilespmem:s31], [sflag:$0x1] =	stream.indirect_vreg.gather [hbm4b:s7+s3], $0x80, v4, vm0, $0xb8;
	[tilespmem:$0x10200] =	vst v63  }
0x2f6: {  	s17 =	simm.s32 $0x6200  }
0x2f7: {  	[tilespmem:s17], [sflag:$0x1] =	stream.indirect_vreg.gather [hbm4b:s2+s3], $0x80, v3, vm0, $0xb8;
	[tilespmem:$0x10200] =	vst v63  }
0x2f8: {  	s4 =	simm.s32 $0x6A00  }
0x2f9: {  	[tilespmem:s4], [sflag:$0x1] =	stream.indirect_vreg.gather [hbm4b:s5+s3], $0x80, v3, vm0, $0xb8;
	[tilespmem:$0x10200] =	vst v63  }
0x2fa: {  	s8 =	simm.s32 $0x7200  }
0x2fb: {  	[tilespmem:s8], [sflag:$0x1] =	stream.indirect_vreg.gather [hbm4b:s6+s3], $0x80, v3, vm0, $0xb8;
	[tilespmem:$0x10200] =	vst v63  }
0x2fc: {  	s9 =	simm.s32 $0x7A00  }
0x2fd: {  	[tilespmem:s9], [sflag:$0x1] =	stream.indirect_vreg.gather [hbm4b:s7+s3], $0x80, v3, vm0, $0xb8;
	[tilespmem:$0x10200] =	vst v63  }
0x2fe: {  	_ =	swait.ge [sflag:s20], $0x8000  }
0x2ff: {  	[sflag:s20] =	ssyncset.done $0x0  }
0x300: {  	s12 =	rddreg [dreg:$0x11];
	[sflag:s20] =	ssyncadd.s32 $0xFFFF8000  }
0x301: {  	[hbm4b:s12+s3] =	stream.linear.scatter [tilespmem:s26], [sflag:$0x4], $0x8000, $0x38;
	[tilespmem:$0x10200] =	vst v63  }
0x302: {  	_ =	swait.ge [sflag:s21], $0x8000  }
0x303: {  	[sflag:s21] =	ssyncset.done $0x0  }
0x304: {  	[sflag:s21] =	ssyncadd.s32 $0xFFFF8000  }
0x305: {  	v3 =	vld [tilespmem:$0x1E0];
	_ =	sdelay $0x4  }
0x306: {  	v62 =	vshll.u32 v3, $0x3  }
0x307: {  	v3 =	vand.u32 $0x7, v3;
	v4 =	vand.u32 $0xFFFFFFC0, v62  }
0x308: {  	v3 =	vor.u32 v3, v4  }
0x309: {  	v4 =	vperm.xlane v3, v0;
	_ =	sdelay $0x1  }
0x30a: {  	v4 =	vadd.s32 v1, v4;
	_ =	sdelay $0x4  }
0x30b: {  	[tilespmem:s26], [sflag:$0x2] =	stream.indirect_vreg.gather [hbm4b:s2+s3], $0x80, v4, vm0, $0xb8;
	[tilespmem:$0x10200] =	vst v63  }
0x30c: {  	s11 =	simm.s32 $0x8A00;
	v3 =	vperm.xlane v3, v2  }
0x30d: {  	[tilespmem:s11], [sflag:$0x2] =	stream.indirect_vreg.gather [hbm4b:s5+s3], $0x80, v4, vm0, $0xb8;
	[tilespmem:$0x10200] =	vst v63  }
0x30e: {  	s13 =	simm.s32 $0x9200;
	v3 =	vadd.s32 v1, v3  }
0x30f: {  	[tilespmem:s13], [sflag:$0x2] =	stream.indirect_vreg.gather [hbm4b:s6+s3], $0x80, v4, vm0, $0xb8;
	[tilespmem:$0x10200] =	vst v63  }
0x310: {  	s16 =	simm.s32 $0x9A00  }
0x311: {  	[tilespmem:s16], [sflag:$0x2] =	stream.indirect_vreg.gather [hbm4b:s7+s3], $0x80, v4, vm0, $0xb8;
	[tilespmem:$0x10200] =	vst v63  }
0x312: {  	s1 =	simm.s32 $0xA200  }
0x313: {  	[tilespmem:s1], [sflag:$0x2] =	stream.indirect_vreg.gather [hbm4b:s2+s3], $0x80, v3, vm0, $0xb8;
	[tilespmem:$0x10200] =	vst v63  }
0x314: {  	s15 =	simm.s32 $0xAA00  }
0x315: {  	[tilespmem:s15], [sflag:$0x2] =	stream.indirect_vreg.gather [hbm4b:s5+s3], $0x80, v3, vm0, $0xb8;
	[tilespmem:$0x10200] =	vst v63  }
0x316: {  	s23 =	simm.s32 $0xB200  }
0x317: {  	[tilespmem:s23], [sflag:$0x2] =	stream.indirect_vreg.gather [hbm4b:s6+s3], $0x80, v3, vm0, $0xb8;
	[tilespmem:$0x10200] =	vst v63  }
0x318: {  	s17 =	simm.s32 $0xBA00  }
0x319: {  	[tilespmem:s17], [sflag:$0x2] =	stream.indirect_vreg.gather [hbm4b:s7+s3], $0x80, v3, vm0, $0xb8;
	[tilespmem:$0x10200] =	vst v63  }
0x31a: {  	v3 =	vld [tilespmem:$0x1F0];
	_ =	sdelay $0x4  }
0x31b: {  	v63 =	vshll.u32 v3, $0x3  }
0x31c: {  	v3 =	vand.u32 $0x7, v3;
	v4 =	vand.u32 $0xFFFFFFC0, v63  }
0x31d: {  	v3 =	vor.u32 v3, v4  }
0x31e: {  	v4 =	vperm.xlane v3, v0;
	_ =	sdelay $0x1  }
0x31f: {  	v4 =	vadd.s32 v1, v4;
	_ =	sdelay $0x3  }
0x320: {  	s22 =	simm.s32 $0xC200  }
0x321: {  	[tilespmem:s22], [sflag:$0x2] =	stream.indirect_vreg.gather [hbm4b:s2+s3], $0x80, v4, vm0, $0xb8;
	[tilespmem:$0x10200] =	vst v63  }
0x322: {  	s23 =	simm.s32 $0xCA00;
	v3 =	vperm.xlane v3, v2  }
0x323: {  	[tilespmem:s23], [sflag:$0x2] =	stream.indirect_vreg.gather [hbm4b:s5+s3], $0x80, v4, vm0, $0xb8;
	[tilespmem:$0x10200] =	vst v63  }
0x324: {  	s29 =	simm.s32 $0xD200;
	v3 =	vadd.s32 v1, v3  }
0x325: {  	[tilespmem:s29], [sflag:$0x2] =	stream.indirect_vreg.gather [hbm4b:s6+s3], $0x80, v4, vm0, $0xb8;
	[tilespmem:$0x10200] =	vst v63  }
0x326: {  	s30 =	simm.s32 $0xDA00  }
0x327: {  	[tilespmem:s30], [sflag:$0x2] =	stream.indirect_vreg.gather [hbm4b:s7+s3], $0x80, v4, vm0, $0xb8;
	[tilespmem:$0x10200] =	vst v63  }
0x328: {  	s14 =	simm.s32 $0xE200  }
0x329: {  	[tilespmem:s14], [sflag:$0x2] =	stream.indirect_vreg.gather [hbm4b:s2+s3], $0x80, v3, vm0, $0xb8;
	[tilespmem:$0x10200] =	vst v63  }
0x32a: {  	s25 =	simm.s32 $0xEA00  }
0x32b: {  	[tilespmem:s25], [sflag:$0x2] =	stream.indirect_vreg.gather [hbm4b:s5+s3], $0x80, v3, vm0, $0xb8;
	[tilespmem:$0x10200] =	vst v63  }
0x32c: {  	s28 =	simm.s32 $0xF200  }
0x32d: {  	[tilespmem:s28], [sflag:$0x2] =	stream.indirect_vreg.gather [hbm4b:s6+s3], $0x80, v3, vm0, $0xb8;
	[tilespmem:$0x10200] =	vst v63  }
0x32e: {  	s29 =	simm.s32 $0xFA00  }
0x32f: {  	[tilespmem:s29], [sflag:$0x2] =	stream.indirect_vreg.gather [hbm4b:s7+s3], $0x80, v3, vm0, $0xb8;
	[tilespmem:$0x10200] =	vst v63  }
0x330: {  	_ =	swait.ge [sflag:s18], $0x8000  }
0x331: {  	[sflag:s18] =	ssyncset.done $0x0  }
0x332: {  	s30 =	rddreg [dreg:$0x12];
	[sflag:s18] =	ssyncadd.s32 $0xFFFF8000  }
0x333: {  	[hbm4b:s30+s3] =	stream.linear.scatter [tilespmem:s10], [sflag:$0x3], $0x8000, $0x38;
	[tilespmem:$0x10200] =	vst v63  }
0x334: {  	_ =	swait.ge [sflag:s19], $0x8000  }
0x335: {  	[sflag:s19] =	ssyncset.done $0x0  }
0x336: {  	[sflag:s19] =	ssyncadd.s32 $0xFFFF8000  }
0x337: {  	_ =	swait.ge [sflag:s20], $0x8000  }
0x338: {  	p0 =	sne.s32 s24, $0x1;
	[sflag:s20] =	ssyncset.done $0x0  }
.Ltmp0:
0x339: {  	s31 =	rddreg [dreg:$0x13];
	[sflag:s20] =	ssyncadd.s32 $0xFFFF8000;
	(pc) =	sbr.rel @p0 .LBB2_1-.Ltmp0, $4  }
0x33a: {  	[hbm4b:s31+s3] =	stream.linear.scatter [tilespmem:s26], [sflag:$0x4], $0x8000, $0x38;
	[tilespmem:$0x10200] =	vst v63  }
0x33b: {  	_ =	swait.ge [sflag:s21], $0x8000  }
0x33c: {  	[sflag:s21] =	ssyncset.done $0x0  }
0x33d: {  	s24 =	sadd.s32 $0xFFFFFFFF, s24;
	[sflag:s21] =	ssyncadd.s32 $0xFFFF8000  }
0x33e: {  	_ =	sfence.sel $0x180000  }
0x33f: {  	[bflag:$0x0] =	sbarrier.arrive $0xFFFF  }
0x340: {  	_ =	strace $0x90000047  }
0x341: {  	s0 =	stileid.u32;
	[bflag:$0x2] =	sbarrier.arrive $0xFFFF  }
0x342: {  	p0 =	sne.s32 s0, $0x0;
	s0 =	rddreg [dreg:$0x3]  }
0x343: {  	s0 =	sadd.s32 @!p0 $0x100000, s0  }
0x344: {  	[sflag:s0] =	ssyncadd.tile.s32 @!p0 $0x1;
	_ =	shalt  }
.Lfunc_end2:
_tile_overlayer_lowered:
.L_overlay_start_2:
0x345: {  	(tag) =	ssettag $0x2  }
0x346: {  	s0 =	rddreg [dreg:$0x0];
	s2 =	stileid.u32  }
0x347: {  	s1 =	rddreg [dreg:$0x1];
	p0 =	sne.s32 s2, $0x0  }
0x348: {  	s3 =	rddreg [dreg:$0x2];
	[bflag:$0x3] =	sbarrier.arrive $0xFFFF;
	s2 =	simm.s32 @!p0 $0x1C05  }
0x349: {  	[timem:s3], [sflag:s2] =	dma.local @!p0 [hbm:s0], s1  }
0x34a: {  	s0 =	simm.s32 @!p0 $0x5  }
0x34b: {  	_ =	swait.ge @!p0 [sflag:s0], s1  }
0x34c: {  	s1 =	ssub.s32 @!p0 $0x0, s1;
	[sflag:s0] =	ssyncset.done @!p0 $0x0  }
0x34d: {  	[sflag:s0] =	ssyncadd.s32 @!p0 s1  }
0x34e: {  	[bflag:$0x3] =	sbarrier.arrive $0xFFFF  }
0x34f: {  	_ =	shalt  }

</sc_bundles>
